<compile_context>
chip_gen: v7x
topology: tpu7x:2x2x1
jax: 0.10.2.dev20260603
libtpu: 0.0.44.dev20260713+nightly
codegen_flags: <defaults>
</compile_context>

<pallas_src>
import functools

import jax
import jax.numpy as jnp
from jax import lax
from jax.experimental import pallas as pl
from jax.experimental.pallas import tpu as pltpu
from jax.experimental.pallas import tpu_sc as plsc

_LANES = 16
_TILE = 128
_NC = 2
_NS = 16
_NW = _NC * _NS
_BLK = 6400


def _body(seq_hbm, out_hbm, in0, in1, ov0, ov1, is0, is1, os0, os1,
          *, n, blk, nblocks, kmax):
    m = (n // _TILE) * _TILE
    nfull = m // blk
    tail = m - nfull * blk

    wid = lax.axis_index("s") * _NC + lax.axis_index("c")

    def bid(k):
        return wid + k * _NW

    def pred(k):
        return bid(k) < nblocks

    def is_tail(k):
        return bid(k) == nfull

    def start_in(k, iv, isem):
        if tail:
            @pl.when(pred(k) & jnp.logical_not(is_tail(k)))
            def _():
                pltpu.async_copy(seq_hbm.at[pl.ds(bid(k) * blk, blk)],
                                 iv, isem)

            @pl.when(is_tail(k))
            def _():
                pltpu.async_copy(seq_hbm.at[pl.ds(nfull * blk, tail)],
                                 iv.at[pl.ds(0, tail)], isem)
        else:
            @pl.when(pred(k))
            def _():
                pltpu.async_copy(seq_hbm.at[pl.ds(bid(k) * blk, blk)],
                                 iv, isem)

    def wait_in(k, iv, isem):
        if tail:
            @pl.when(jnp.logical_not(is_tail(k)))
            def _():
                pltpu.make_async_copy(seq_hbm.at[pl.ds(bid(k) * blk, blk)],
                                      iv, isem).wait()

            @pl.when(is_tail(k))
            def _():
                pltpu.make_async_copy(seq_hbm.at[pl.ds(nfull * blk, tail)],
                                      iv.at[pl.ds(0, tail)], isem).wait()
        else:
            pltpu.make_async_copy(seq_hbm.at[pl.ds(bid(k) * blk, blk)],
                                  iv, isem).wait()

    def start_out(k, ov, osem):
        if tail:
            @pl.when(jnp.logical_not(is_tail(k)))
            def _():
                pltpu.async_copy(ov, out_hbm.at[:, pl.ds(bid(k) * blk, blk)],
                                 osem)

            @pl.when(is_tail(k))
            def _():
                pltpu.async_copy(ov.at[:, pl.ds(0, tail)],
                                 out_hbm.at[:, pl.ds(nfull * blk, tail)],
                                 osem)
        else:
            pltpu.async_copy(ov, out_hbm.at[:, pl.ds(bid(k) * blk, blk)],
                             osem)

    def wait_out(k, ov, osem):
        if tail:
            @pl.when(jnp.logical_not(is_tail(k)))
            def _():
                pltpu.make_async_copy(
                    ov, out_hbm.at[:, pl.ds(bid(k) * blk, blk)], osem).wait()

            @pl.when(is_tail(k))
            def _():
                pltpu.make_async_copy(
                    ov.at[:, pl.ds(0, tail)],
                    out_hbm.at[:, pl.ds(nfull * blk, tail)], osem).wait()
        else:
            pltpu.make_async_copy(
                ov, out_hbm.at[:, pl.ds(bid(k) * blk, blk)], osem).wait()

    def compute(iv, ov):
        one = jnp.full((_LANES,), 1.0, jnp.float32)
        quarter = jnp.full((_LANES,), 0.25, jnp.float32)
        zero = jnp.zeros((_LANES,), jnp.float32)

        @plsc.parallel_loop(0, blk, step=_LANES, unroll=4)
        def inner(i):
            off = pl.multiple_of(i, _LANES)
            s = iv[pl.ds(off, _LANES)]
            nv = jnp.where(s == 4, quarter, zero)
            for c in range(4):
                ov[c, pl.ds(off, _LANES)] = jnp.where(s == c, one, nv)

    def iteration(k, cur, nxt):
        (iv, ov, isem, osem) = cur
        start_in(k + 1, nxt[0], nxt[2])

        @pl.when(pred(k))
        def _():
            wait_in(k, iv, isem)

            @pl.when(k >= 2)
            def _():
                wait_out(k - 2, ov, osem)

            compute(iv, ov)
            start_out(k, ov, osem)

    bufs = ((in0, ov0, is0, os0), (in1, ov1, is1, os1))

    start_in(0, in0, is0)

    def step(k, carry):
        @pl.when(lax.rem(k, 2) == 0)
        def _():
            iteration(k, bufs[0], bufs[1])

        @pl.when(lax.rem(k, 2) == 1)
        def _():
            iteration(k, bufs[1], bufs[0])

        return carry

    lax.fori_loop(0, kmax, step, 0)

    for j in range(max(0, kmax - 3), kmax):
        @pl.when(pred(j) & jnp.logical_not(pred(j + 2)))
        def _(j=j):
            wait_out(j, bufs[j % 2][1], bufs[j % 2][3])


def kernel(seq):
    n = seq.shape[0]
    blk = _BLK
    m = (n // _TILE) * _TILE
    nblocks = -(-m // blk)
    kmax = -(-nblocks // _NW)
    mesh = plsc.VectorSubcoreMesh(core_axis_name="c", subcore_axis_name="s")
    f = pl.kernel(
        functools.partial(_body, n=n, blk=blk, nblocks=nblocks, kmax=kmax),
        out_type=jax.ShapeDtypeStruct((4, n), jnp.float32),
        mesh=mesh,
        scratch_types=[pltpu.VMEM((blk,), jnp.int32) for _ in range(2)]
        + [pltpu.VMEM((4, blk), jnp.float32) for _ in range(2)]
        + [pltpu.SemaphoreType.DMA for _ in range(4)],
    )
    seq = seq.astype(jnp.int32)
    out = f(seq)
    if m < n:
        rem = seq[m:]
        cls = jnp.arange(4, dtype=jnp.int32)[:, None]
        patch = jnp.where(rem[None, :] == cls, jnp.float32(1.0),
                          jnp.where(rem[None, :] == 4,
                                    jnp.float32(0.25), jnp.float32(0.0)))
        out = lax.dynamic_update_slice(out, patch, (0, m))
    return out

# --- scband reference (transcript-rebuilt; emitter-appended) ---
"""Pipeline reference for scband-seq2-tensor-47304769798854 (READ-ONLY COPY).

The authoritative reference and input builder live on the scoring server;
editing this copy changes nothing except your own understanding.
"""

import jax, jax.numpy as jnp
import numpy as np

def setup_inputs(seed: int = 0) -> dict:
    key = jax.random.key(seed)
    seq = jax.random.randint(key, (1000000,), 0, 5, dtype=jnp.int64 if jax.config.jax_enable_x64 else jnp.int32)
    return {"seq": seq}

def reference(seq):
    # one_hot over 5 classes (A,C,G,T,N)
    code = jax.nn.one_hot(seq, 5, dtype=jnp.float32)  # [L, 5]
    # rows that are 'N' (class 4) become all 0.25 (the torch code sets the whole row to 0.25)
    is_n = code[:, 4] == 1.0
    code = jnp.where(is_n[:, None], 0.25, code)
    code = code[:, :4]  # drop the N column
    return code.T  # [4, L]

if __name__ == "__main__":
    import jax
    _d = setup_inputs()
    print(jax.jit(kernel)(*tuple(_d.values())))

</pallas_src>

<mosaic_0001>
#map = affine_map<(d0, d1) -> (0)>
#map1 = affine_map<(d0, d1) -> (0, 0)>
module attributes {stable_mosaic.version = 14 : i64} {
  func.func @_body(%arg0: i32, %arg1: i32, %arg2: memref<1000000xi32, #tpu.memory_space<hbm>>, %arg3: memref<4x1000000xf32, #tpu.memory_space<hbm>>, %arg4: memref<6400xi32, #tpu.memory_space<vmem>>, %arg5: memref<6400xi32, #tpu.memory_space<vmem>>, %arg6: memref<4x6400xf32, #tpu.memory_space<vmem>>, %arg7: memref<4x6400xf32, #tpu.memory_space<vmem>>, %arg8: memref<!tpu.dma_semaphore, #tpu.memory_space<semaphore_mem>>, %arg9: memref<!tpu.dma_semaphore, #tpu.memory_space<semaphore_mem>>, %arg10: memref<!tpu.dma_semaphore, #tpu.memory_space<semaphore_mem>>, %arg11: memref<!tpu.dma_semaphore, #tpu.memory_space<semaphore_mem>>) attributes {dimension_semantics = [#tpu.dimension_semantics<core_parallel>, #tpu.dimension_semantics<subcore_parallel>], iteration_bounds = array<i64: 2, 16>, scalar_prefetch = 0 : i64, scratch_operands = 8 : i64, tpu.core_type = #tpu.core_type<sc_vector_subcore>, window_params = [{transform_indices = #map}, {transform_indices = #map1}]} {
    %mul3A = arith.constant 2 : i32
    %mul3A_0 = arith.muli %arg1, %mul3A : i32
    %add3A = arith.addi %mul3A_0, %arg0 : i32
    %add3A_1 = arith.constant 0 : i32
    %add3A_2 = arith.addi %add3A, %add3A_1 : i32
    %lt3A = arith.constant 157 : i32
    %lt3A_3 = arith.cmpi slt, %add3A_2, %lt3A : i32
    %add3A_4 = arith.constant 0 : i32
    %add3A_5 = arith.addi %add3A, %add3A_4 : i32
    %eq3A = arith.constant 156 : i32
    %eq3A_6 = arith.cmpi eq, %add3A_5, %eq3A : i32
    %not3A = arith.constant true
    %not3A_7 = arith.xori %eq3A_6, %not3A : i1
    %and3A = arith.andi %lt3A_3, %not3A_7 : i1
    %convert_element_type3A = arith.extui %and3A : i1 to i32
    %cond3A = arith.constant 0 : i32
    %cond3A_8 = arith.cmpi ne, %convert_element_type3A, %cond3A : i32
    scf.if %cond3A_8 {
      %add3A_63 = arith.constant 0 : i32
      %add3A_64 = arith.addi %add3A, %add3A_63 : i32
      %mul3A_65 = arith.constant 6400 : i32
      %mul3A_66 = arith.muli %add3A_64, %mul3A_65 : i32
      %dma_start3A = tpu.memref_slice %arg2[%mul3A_66] : memref<1000000xi32, #tpu.memory_space<hbm>> -> memref<6400xi32, #tpu.memory_space<hbm>>
      %dma_start3A_67 = tpu.memref_slice %arg2[%mul3A_66] : memref<1000000xi32, #tpu.memory_space<hbm>> -> memref<6400xi32, #tpu.memory_space<hbm>>
      tpu.enqueue_dma source(%dma_start3A_67 : memref<6400xi32, #tpu.memory_space<hbm>>) target(%arg4 : memref<6400xi32, #tpu.memory_space<vmem>>) target_semaphore(%arg8 : memref<!tpu.dma_semaphore, #tpu.memory_space<semaphore_mem>>)
    } else {
    }
    %add3A_9 = arith.constant 0 : i32
    %add3A_10 = arith.addi %add3A, %add3A_9 : i32
    %eq3A_11 = arith.constant 156 : i32
    %eq3A_12 = arith.cmpi eq, %add3A_10, %eq3A_11 : i32
    %convert_element_type3A_13 = arith.extui %eq3A_12 : i1 to i32
    %cond3A_14 = arith.constant 0 : i32
    %cond3A_15 = arith.cmpi ne, %convert_element_type3A_13, %cond3A_14 : i32
    scf.if %cond3A_15 {
      %dma_start3A = arith.constant 0 : i32
      %dma_start3A_63 = tpu.memref_slice %arg4[%dma_start3A] : memref<6400xi32, #tpu.memory_space<vmem>> -> memref<1536xi32, #tpu.memory_space<vmem>>
      %dma_start3A_64 = arith.constant 998400 : i32
      %dma_start3A_65 = tpu.memref_slice %arg2[%dma_start3A_64] : memref<1000000xi32, #tpu.memory_space<hbm>> -> memref<1536xi32, #tpu.memory_space<hbm>>
      %dma_start3A_66 = arith.constant 0 : i32
      %dma_start3A_67 = tpu.memref_slice %arg4[%dma_start3A_66] : memref<6400xi32, #tpu.memory_space<vmem>> -> memref<1536xi32, #tpu.memory_space<vmem>>
      %dma_start3A_68 = arith.constant 998400 : i32
      %dma_start3A_69 = tpu.memref_slice %arg2[%dma_start3A_68] : memref<1000000xi32, #tpu.memory_space<hbm>> -> memref<1536xi32, #tpu.memory_space<hbm>>
      tpu.enqueue_dma source(%dma_start3A_69 : memref<1536xi32, #tpu.memory_space<hbm>>) target(%dma_start3A_67 : memref<1536xi32, #tpu.memory_space<vmem>>) target_semaphore(%arg8 : memref<!tpu.dma_semaphore, #tpu.memory_space<semaphore_mem>>)
    } else {
    }
    %scan3A = arith.constant 0 : i32
    %scan3A_16 = arith.constant 0 : i32
    %scan3A_17 = arith.constant 5 : i32
    %scan3A_18 = arith.addi %scan3A_16, %scan3A_17 : i32
    %scan3A_19 = arith.constant 1 : i32
    scf.for %scan3A_63 = %scan3A_16 to %scan3A_18 step %scan3A_19  : i32 {
      %rem3A = arith.constant 2 : i32
      %rem3A_64 = arith.remsi %scan3A_63, %rem3A : i32
      %eq3A_65 = arith.constant 0 : i32
      %eq3A_66 = arith.cmpi eq, %rem3A_64, %eq3A_65 : i32
      %convert_element_type3A_67 = arith.extui %eq3A_66 : i1 to i32
      %cond3A_68 = arith.constant 0 : i32
      %cond3A_69 = arith.cmpi ne, %convert_element_type3A_67, %cond3A_68 : i32
      scf.if %cond3A_69 {
        %add3A_77 = arith.constant 1 : i32
        %add3A_78 = arith.addi %scan3A_63, %add3A_77 : i32
        %mul3A_79 = arith.constant 32 : i32
        %mul3A_80 = arith.muli %add3A_78, %mul3A_79 : i32
        %add3A_81 = arith.addi %add3A, %mul3A_80 : i32
        %lt3A_82 = arith.constant 157 : i32
        %lt3A_83 = arith.cmpi slt, %add3A_81, %lt3A_82 : i32
        %mul3A_84 = arith.constant 32 : i32
        %mul3A_85 = arith.muli %add3A_78, %mul3A_84 : i32
        %add3A_86 = arith.addi %add3A, %mul3A_85 : i32
        %eq3A_87 = arith.constant 156 : i32
        %eq3A_88 = arith.cmpi eq, %add3A_86, %eq3A_87 : i32
        %not3A_89 = arith.constant true
        %not3A_90 = arith.xori %eq3A_88, %not3A_89 : i1
        %and3A_91 = arith.andi %lt3A_83, %not3A_90 : i1
        %convert_element_type3A_92 = arith.extui %and3A_91 : i1 to i32
        %cond3A_93 = arith.constant 0 : i32
        %cond3A_94 = arith.cmpi ne, %convert_element_type3A_92, %cond3A_93 : i32
        scf.if %cond3A_94 {
          %mul3A_111 = arith.constant 32 : i32
          %mul3A_112 = arith.muli %add3A_78, %mul3A_111 : i32
          %add3A_113 = arith.addi %add3A, %mul3A_112 : i32
          %mul3A_114 = arith.constant 6400 : i32
          %mul3A_115 = arith.muli %add3A_113, %mul3A_114 : i32
          %dma_start3A = tpu.memref_slice %arg2[%mul3A_115] : memref<1000000xi32, #tpu.memory_space<hbm>> -> memref<6400xi32, #tpu.memory_space<hbm>>
          %dma_start3A_116 = tpu.memref_slice %arg2[%mul3A_115] : memref<1000000xi32, #tpu.memory_space<hbm>> -> memref<6400xi32, #tpu.memory_space<hbm>>
          tpu.enqueue_dma source(%dma_start3A_116 : memref<6400xi32, #tpu.memory_space<hbm>>) target(%arg5 : memref<6400xi32, #tpu.memory_space<vmem>>) target_semaphore(%arg9 : memref<!tpu.dma_semaphore, #tpu.memory_space<semaphore_mem>>)
        } else {
        }
        %mul3A_95 = arith.constant 32 : i32
        %mul3A_96 = arith.muli %add3A_78, %mul3A_95 : i32
        %add3A_97 = arith.addi %add3A, %mul3A_96 : i32
        %eq3A_98 = arith.constant 156 : i32
        %eq3A_99 = arith.cmpi eq, %add3A_97, %eq3A_98 : i32
        %convert_element_type3A_100 = arith.extui %eq3A_99 : i1 to i32
        %cond3A_101 = arith.constant 0 : i32
        %cond3A_102 = arith.cmpi ne, %convert_element_type3A_100, %cond3A_101 : i32
        scf.if %cond3A_102 {
          %dma_start3A = arith.constant 0 : i32
          %dma_start3A_111 = tpu.memref_slice %arg5[%dma_start3A] : memref<6400xi32, #tpu.memory_space<vmem>> -> memref<1536xi32, #tpu.memory_space<vmem>>
          %dma_start3A_112 = arith.constant 998400 : i32
          %dma_start3A_113 = tpu.memref_slice %arg2[%dma_start3A_112] : memref<1000000xi32, #tpu.memory_space<hbm>> -> memref<1536xi32, #tpu.memory_space<hbm>>
          %dma_start3A_114 = arith.constant 0 : i32
          %dma_start3A_115 = tpu.memref_slice %arg5[%dma_start3A_114] : memref<6400xi32, #tpu.memory_space<vmem>> -> memref<1536xi32, #tpu.memory_space<vmem>>
          %dma_start3A_116 = arith.constant 998400 : i32
          %dma_start3A_117 = tpu.memref_slice %arg2[%dma_start3A_116] : memref<1000000xi32, #tpu.memory_space<hbm>> -> memref<1536xi32, #tpu.memory_space<hbm>>
          tpu.enqueue_dma source(%dma_start3A_117 : memref<1536xi32, #tpu.memory_space<hbm>>) target(%dma_start3A_115 : memref<1536xi32, #tpu.memory_space<vmem>>) target_semaphore(%arg9 : memref<!tpu.dma_semaphore, #tpu.memory_space<semaphore_mem>>)
        } else {
        }
        %mul3A_103 = arith.constant 32 : i32
        %mul3A_104 = arith.muli %scan3A_63, %mul3A_103 : i32
        %add3A_105 = arith.addi %add3A, %mul3A_104 : i32
        %lt3A_106 = arith.constant 157 : i32
        %lt3A_107 = arith.cmpi slt, %add3A_105, %lt3A_106 : i32
        %convert_element_type3A_108 = arith.extui %lt3A_107 : i1 to i32
        %cond3A_109 = arith.constant 0 : i32
        %cond3A_110 = arith.cmpi ne, %convert_element_type3A_108, %cond3A_109 : i32
        scf.if %cond3A_110 {
          %mul3A_111 = arith.constant 32 : i32
          %mul3A_112 = arith.muli %scan3A_63, %mul3A_111 : i32
          %add3A_113 = arith.addi %add3A, %mul3A_112 : i32
          %eq3A_114 = arith.constant 156 : i32
          %eq3A_115 = arith.cmpi eq, %add3A_113, %eq3A_114 : i32
          %not3A_116 = arith.constant true
          %not3A_117 = arith.xori %eq3A_115, %not3A_116 : i1
          %convert_element_type3A_118 = arith.extui %not3A_117 : i1 to i32
          %cond3A_119 = arith.constant 0 : i32
          %cond3A_120 = arith.cmpi ne, %convert_element_type3A_118, %cond3A_119 : i32
          scf.if %cond3A_120 {
            %mul3A_158 = arith.constant 32 : i32
            %mul3A_159 = arith.muli %scan3A_63, %mul3A_158 : i32
            %add3A_160 = arith.addi %add3A, %mul3A_159 : i32
            %mul3A_161 = arith.constant 6400 : i32
            %mul3A_162 = arith.muli %add3A_160, %mul3A_161 : i32
            %dma_wait3A = tpu.memref_slice %arg2[%mul3A_162] : memref<1000000xi32, #tpu.memory_space<hbm>> -> memref<6400xi32, #tpu.memory_space<hbm>>
            %dma_wait3A_163 = tpu.memref_slice %arg2[%mul3A_162] : memref<1000000xi32, #tpu.memory_space<hbm>> -> memref<6400xi32, #tpu.memory_space<hbm>>
            tpu.wait_dma2 semaphore(%arg8 : memref<!tpu.dma_semaphore, #tpu.memory_space<semaphore_mem>>) src(%dma_wait3A_163 : memref<6400xi32, #tpu.memory_space<hbm>>) dst(%arg4 : memref<6400xi32, #tpu.memory_space<vmem>>)
          } else {
          }
          %mul3A_121 = arith.constant 32 : i32
          %mul3A_122 = arith.muli %scan3A_63, %mul3A_121 : i32
          %add3A_123 = arith.addi %add3A, %mul3A_122 : i32
          %eq3A_124 = arith.constant 156 : i32
          %eq3A_125 = arith.cmpi eq, %add3A_123, %eq3A_124 : i32
          %convert_element_type3A_126 = arith.extui %eq3A_125 : i1 to i32
          %cond3A_127 = arith.constant 0 : i32
          %cond3A_128 = arith.cmpi ne, %convert_element_type3A_126, %cond3A_127 : i32
          scf.if %cond3A_128 {
            %dma_wait3A = arith.constant 0 : i32
            %dma_wait3A_158 = tpu.memref_slice %arg4[%dma_wait3A] : memref<6400xi32, #tpu.memory_space<vmem>> -> memref<1536xi32, #tpu.memory_space<vmem>>
            %dma_wait3A_159 = arith.constant 998400 : i32
            %dma_wait3A_160 = tpu.memref_slice %arg2[%dma_wait3A_159] : memref<1000000xi32, #tpu.memory_space<hbm>> -> memref<1536xi32, #tpu.memory_space<hbm>>
            %dma_wait3A_161 = arith.constant 0 : i32
            %dma_wait3A_162 = tpu.memref_slice %arg4[%dma_wait3A_161] : memref<6400xi32, #tpu.memory_space<vmem>> -> memref<1536xi32, #tpu.memory_space<vmem>>
            %dma_wait3A_163 = arith.constant 998400 : i32
            %dma_wait3A_164 = tpu.memref_slice %arg2[%dma_wait3A_163] : memref<1000000xi32, #tpu.memory_space<hbm>> -> memref<1536xi32, #tpu.memory_space<hbm>>
            tpu.wait_dma2 semaphore(%arg8 : memref<!tpu.dma_semaphore, #tpu.memory_space<semaphore_mem>>) src(%dma_wait3A_164 : memref<1536xi32, #tpu.memory_space<hbm>>) dst(%dma_wait3A_162 : memref<1536xi32, #tpu.memory_space<vmem>>)
          } else {
          }
          %ge3A = arith.constant 2 : i32
          %ge3A_129 = arith.cmpi sge, %scan3A_63, %ge3A : i32
          %convert_element_type3A_130 = arith.extui %ge3A_129 : i1 to i32
          %cond3A_131 = arith.constant 0 : i32
          %cond3A_132 = arith.cmpi ne, %convert_element_type3A_130, %cond3A_131 : i32
          scf.if %cond3A_132 {
            %sub3A = arith.constant 2 : i32
            %sub3A_158 = arith.subi %scan3A_63, %sub3A : i32
            %mul3A_159 = arith.constant 32 : i32
            %mul3A_160 = arith.muli %sub3A_158, %mul3A_159 : i32
            %add3A_161 = arith.addi %add3A, %mul3A_160 : i32
            %eq3A_162 = arith.constant 156 : i32
            %eq3A_163 = arith.cmpi eq, %add3A_161, %eq3A_162 : i32
            %not3A_164 = arith.constant true
            %not3A_165 = arith.xori %eq3A_163, %not3A_164 : i1
            %convert_element_type3A_166 = arith.extui %not3A_165 : i1 to i32
            %cond3A_167 = arith.constant 0 : i32
            %cond3A_168 = arith.cmpi ne, %convert_element_type3A_166, %cond3A_167 : i32
            scf.if %cond3A_168 {
              %mul3A_177 = arith.constant 32 : i32
              %mul3A_178 = arith.muli %sub3A_158, %mul3A_177 : i32
              %add3A_179 = arith.addi %add3A, %mul3A_178 : i32
              %mul3A_180 = arith.constant 6400 : i32
              %mul3A_181 = arith.muli %add3A_179, %mul3A_180 : i32
              %dma_wait3A = arith.constant 0 : i32
              %dma_wait3A_182 = tpu.memref_slice %arg3[%dma_wait3A, %mul3A_181] : memref<4x1000000xf32, #tpu.memory_space<hbm>> -> memref<4x6400xf32, #tpu.memory_space<hbm>>
              %dma_wait3A_183 = arith.constant 0 : i32
              %dma_wait3A_184 = tpu.memref_slice %arg3[%dma_wait3A_183, %mul3A_181] : memref<4x1000000xf32, #tpu.memory_space<hbm>> -> memref<4x6400xf32, #tpu.memory_space<hbm>>
              tpu.wait_dma2 semaphore(%arg10 : memref<!tpu.dma_semaphore, #tpu.memory_space<semaphore_mem>>) src(%arg6 : memref<4x6400xf32, #tpu.memory_space<vmem>>) dst(%dma_wait3A_184 : memref<4x6400xf32, #tpu.memory_space<hbm>>)
            } else {
            }
            %mul3A_169 = arith.constant 32 : i32
            %mul3A_170 = arith.muli %sub3A_158, %mul3A_169 : i32
            %add3A_171 = arith.addi %add3A, %mul3A_170 : i32
            %eq3A_172 = arith.constant 156 : i32
            %eq3A_173 = arith.cmpi eq, %add3A_171, %eq3A_172 : i32
            %convert_element_type3A_174 = arith.extui %eq3A_173 : i1 to i32
            %cond3A_175 = arith.constant 0 : i32
            %cond3A_176 = arith.cmpi ne, %convert_element_type3A_174, %cond3A_175 : i32
            scf.if %cond3A_176 {
              %dma_wait3A = arith.constant 0 : i32
              %dma_wait3A_177 = arith.constant 0 : i32
              %dma_wait3A_178 = tpu.memref_slice %arg6[%dma_wait3A, %dma_wait3A_177] : memref<4x6400xf32, #tpu.memory_space<vmem>> -> memref<4x1536xf32, #tpu.memory_space<vmem>>
              %dma_wait3A_179 = arith.constant 0 : i32
              %dma_wait3A_180 = arith.constant 998400 : i32
              %dma_wait3A_181 = tpu.memref_slice %arg3[%dma_wait3A_179, %dma_wait3A_180] : memref<4x1000000xf32, #tpu.memory_space<hbm>> -> memref<4x1536xf32, #tpu.memory_space<hbm>>
              %dma_wait3A_182 = arith.constant 0 : i32
              %dma_wait3A_183 = arith.constant 998400 : i32
              %dma_wait3A_184 = tpu.memref_slice %arg3[%dma_wait3A_182, %dma_wait3A_183] : memref<4x1000000xf32, #tpu.memory_space<hbm>> -> memref<4x1536xf32, #tpu.memory_space<hbm>>
              %dma_wait3A_185 = arith.constant 0 : i32
              %dma_wait3A_186 = arith.constant 0 : i32
              %dma_wait3A_187 = tpu.memref_slice %arg6[%dma_wait3A_185, %dma_wait3A_186] : memref<4x6400xf32, #tpu.memory_space<vmem>> -> memref<4x1536xf32, #tpu.memory_space<vmem>>
              tpu.wait_dma2 semaphore(%arg10 : memref<!tpu.dma_semaphore, #tpu.memory_space<semaphore_mem>>) src(%dma_wait3A_187 : memref<4x1536xf32, #tpu.memory_space<vmem>>) dst(%dma_wait3A_184 : memref<4x1536xf32, #tpu.memory_space<hbm>>)
            } else {
            }
          } else {
          }
          %broadcast_in_dim3A = arith.constant 1.000000e+00 : f32
          %broadcast_in_dim3A_133 = vector.broadcast %broadcast_in_dim3A : f32 to vector<16xf32>
          %broadcast_in_dim3A_134 = arith.constant 2.500000e-01 : f32
          %broadcast_in_dim3A_135 = vector.broadcast %broadcast_in_dim3A_134 : f32 to vector<16xf32>
          %broadcast_in_dim3A_136 = arith.constant 0.000000e+00 : f32
          %broadcast_in_dim3A_137 = vector.broadcast %broadcast_in_dim3A_136 : f32 to vector<16xf32>
          %parallel_loop3A = arith.constant 0 : i32
          %parallel_loop3A_138 = arith.constant 6400 : i32
          %parallel_loop3A_139 = arith.constant 16 : i32
          scf.for %parallel_loop3A_158 = %parallel_loop3A to %parallel_loop3A_138 step %parallel_loop3A_139  : i32 {
            %parallel_loop3A_159 = tpu.assume_multiple %parallel_loop3A_158, 16 : i32
            %parallel_loop3A_160 = arith.index_cast %parallel_loop3A_159 : i32 to index
            %parallel_loop3A_161 = tpu.vector_load %arg4[%parallel_loop3A_160] {strides = array<i32>} : memref<6400xi32, #tpu.memory_space<vmem>>, vector<16xi32>,
            %parallel_loop3A_162 = vector.shape_cast %parallel_loop3A_161 : vector<16xi32> to vector<16xi32>
            %parallel_loop3A_163 = arith.constant 4 : i32
            %parallel_loop3A_164 = vector.broadcast %parallel_loop3A_163 : i32 to vector<16xi32>
            %parallel_loop3A_165 = arith.cmpi eq, %parallel_loop3A_162, %parallel_loop3A_164 : vector<16xi32>
            %parallel_loop3A_166 = arith.select %parallel_loop3A_165, %broadcast_in_dim3A_135, %broadcast_in_dim3A_137 : vector<16xi1>, vector<16xf32>
            %parallel_loop3A_167 = arith.constant 0 : i32
            %parallel_loop3A_168 = vector.broadcast %parallel_loop3A_167 : i32 to vector<16xi32>
            %parallel_loop3A_169 = arith.cmpi eq, %parallel_loop3A_162, %parallel_loop3A_168 : vector<16xi32>
            %parallel_loop3A_170 = arith.select %parallel_loop3A_169, %broadcast_in_dim3A_133, %parallel_loop3A_166 : vector<16xi1>, vector<16xf32>
            %parallel_loop3A_171 = arith.constant 0 : i32
            %parallel_loop3A_172 = arith.index_cast %parallel_loop3A_171 : i32 to index
            %parallel_loop3A_173 = arith.index_cast %parallel_loop3A_159 : i32 to index
            %parallel_loop3A_174 = tpu.vector_load %arg6[%parallel_loop3A_172, %parallel_loop3A_173] {strides = array<i32>} : memref<4x6400xf32, #tpu.memory_space<vmem>>, vector<1x16xf32>,
            %parallel_loop3A_175 = vector.shape_cast %parallel_loop3A_174 : vector<1x16xf32> to vector<16xf32>
            %parallel_loop3A_176 = vector.shape_cast %parallel_loop3A_170 : vector<16xf32> to vector<1x16xf32>
            tpu.vector_store %arg6[%parallel_loop3A_172, %parallel_loop3A_173], %parallel_loop3A_176 {strides = array<i32>} : memref<4x6400xf32, #tpu.memory_space<vmem>>, vector<1x16xf32>,
            %parallel_loop3A_177 = arith.constant 1 : i32
            %parallel_loop3A_178 = vector.broadcast %parallel_loop3A_177 : i32 to vector<16xi32>
            %parallel_loop3A_179 = arith.cmpi eq, %parallel_loop3A_162, %parallel_loop3A_178 : vector<16xi32>
            %parallel_loop3A_180 = arith.select %parallel_loop3A_179, %broadcast_in_dim3A_133, %parallel_loop3A_166 : vector<16xi1>, vector<16xf32>
            %parallel_loop3A_181 = arith.constant 1 : i32
            %parallel_loop3A_182 = arith.index_cast %parallel_loop3A_181 : i32 to index
            %parallel_loop3A_183 = arith.index_cast %parallel_loop3A_159 : i32 to index
            %parallel_loop3A_184 = tpu.vector_load %arg6[%parallel_loop3A_182, %parallel_loop3A_183] {strides = array<i32>} : memref<4x6400xf32, #tpu.memory_space<vmem>>, vector<1x16xf32>,
            %parallel_loop3A_185 = vector.shape_cast %parallel_loop3A_184 : vector<1x16xf32> to vector<16xf32>
            %parallel_loop3A_186 = vector.shape_cast %parallel_loop3A_180 : vector<16xf32> to vector<1x16xf32>
            tpu.vector_store %arg6[%parallel_loop3A_182, %parallel_loop3A_183], %parallel_loop3A_186 {strides = array<i32>} : memref<4x6400xf32, #tpu.memory_space<vmem>>, vector<1x16xf32>,
            %parallel_loop3A_187 = arith.constant 2 : i32
            %parallel_loop3A_188 = vector.broadcast %parallel_loop3A_187 : i32 to vector<16xi32>
            %parallel_loop3A_189 = arith.cmpi eq, %parallel_loop3A_162, %parallel_loop3A_188 : vector<16xi32>
            %parallel_loop3A_190 = arith.select %parallel_loop3A_189, %broadcast_in_dim3A_133, %parallel_loop3A_166 : vector<16xi1>, vector<16xf32>
            %parallel_loop3A_191 = arith.constant 2 : i32
            %parallel_loop3A_192 = arith.index_cast %parallel_loop3A_191 : i32 to index
            %parallel_loop3A_193 = arith.index_cast %parallel_loop3A_159 : i32 to index
            %parallel_loop3A_194 = tpu.vector_load %arg6[%parallel_loop3A_192, %parallel_loop3A_193] {strides = array<i32>} : memref<4x6400xf32, #tpu.memory_space<vmem>>, vector<1x16xf32>,
            %parallel_loop3A_195 = vector.shape_cast %parallel_loop3A_194 : vector<1x16xf32> to vector<16xf32>
            %parallel_loop3A_196 = vector.shape_cast %parallel_loop3A_190 : vector<16xf32> to vector<1x16xf32>
            tpu.vector_store %arg6[%parallel_loop3A_192, %parallel_loop3A_193], %parallel_loop3A_196 {strides = array<i32>} : memref<4x6400xf32, #tpu.memory_space<vmem>>, vector<1x16xf32>,
            %parallel_loop3A_197 = arith.constant 3 : i32
            %parallel_loop3A_198 = vector.broadcast %parallel_loop3A_197 : i32 to vector<16xi32>
            %parallel_loop3A_199 = arith.cmpi eq, %parallel_loop3A_162, %parallel_loop3A_198 : vector<16xi32>
            %parallel_loop3A_200 = arith.select %parallel_loop3A_199, %broadcast_in_dim3A_133, %parallel_loop3A_166 : vector<16xi1>, vector<16xf32>
            %parallel_loop3A_201 = arith.constant 3 : i32
            %parallel_loop3A_202 = arith.index_cast %parallel_loop3A_201 : i32 to index
            %parallel_loop3A_203 = arith.index_cast %parallel_loop3A_159 : i32 to index
            %parallel_loop3A_204 = tpu.vector_load %arg6[%parallel_loop3A_202, %parallel_loop3A_203] {strides = array<i32>} : memref<4x6400xf32, #tpu.memory_space<vmem>>, vector<1x16xf32>,
            %parallel_loop3A_205 = vector.shape_cast %parallel_loop3A_204 : vector<1x16xf32> to vector<16xf32>
            %parallel_loop3A_206 = vector.shape_cast %parallel_loop3A_200 : vector<16xf32> to vector<1x16xf32>
            tpu.vector_store %arg6[%parallel_loop3A_202, %parallel_loop3A_203], %parallel_loop3A_206 {strides = array<i32>} : memref<4x6400xf32, #tpu.memory_space<vmem>>, vector<1x16xf32>,
          } {sc.loop_unroll_factor = 4 : i64, sc.parallel_access}
          %mul3A_140 = arith.constant 32 : i32
          %mul3A_141 = arith.muli %scan3A_63, %mul3A_140 : i32
          %add3A_142 = arith.addi %add3A, %mul3A_141 : i32
          %eq3A_143 = arith.constant 156 : i32
          %eq3A_144 = arith.cmpi eq, %add3A_142, %eq3A_143 : i32
          %not3A_145 = arith.constant true
          %not3A_146 = arith.xori %eq3A_144, %not3A_145 : i1
          %convert_element_type3A_147 = arith.extui %not3A_146 : i1 to i32
          %cond3A_148 = arith.constant 0 : i32
          %cond3A_149 = arith.cmpi ne, %convert_element_type3A_147, %cond3A_148 : i32
          scf.if %cond3A_149 {
            %mul3A_158 = arith.constant 32 : i32
            %mul3A_159 = arith.muli %scan3A_63, %mul3A_158 : i32
            %add3A_160 = arith.addi %add3A, %mul3A_159 : i32
            %mul3A_161 = arith.constant 6400 : i32
            %mul3A_162 = arith.muli %add3A_160, %mul3A_161 : i32
            %dma_start3A = arith.constant 0 : i32
            %dma_start3A_163 = tpu.memref_slice %arg3[%dma_start3A, %mul3A_162] : memref<4x1000000xf32, #tpu.memory_space<hbm>> -> memref<4x6400xf32, #tpu.memory_space<hbm>>
            %dma_start3A_164 = arith.constant 0 : i32
            %dma_start3A_165 = tpu.memref_slice %arg3[%dma_start3A_164, %mul3A_162] : memref<4x1000000xf32, #tpu.memory_space<hbm>> -> memref<4x6400xf32, #tpu.memory_space<hbm>>
            tpu.enqueue_dma source(%arg6 : memref<4x6400xf32, #tpu.memory_space<vmem>>) target(%dma_start3A_165 : memref<4x6400xf32, #tpu.memory_space<hbm>>) target_semaphore(%arg10 : memref<!tpu.dma_semaphore, #tpu.memory_space<semaphore_mem>>)
          } else {
          }
          %mul3A_150 = arith.constant 32 : i32
          %mul3A_151 = arith.muli %scan3A_63, %mul3A_150 : i32
          %add3A_152 = arith.addi %add3A, %mul3A_151 : i32
          %eq3A_153 = arith.constant 156 : i32
          %eq3A_154 = arith.cmpi eq, %add3A_152, %eq3A_153 : i32
          %convert_element_type3A_155 = arith.extui %eq3A_154 : i1 to i32
          %cond3A_156 = arith.constant 0 : i32
          %cond3A_157 = arith.cmpi ne, %convert_element_type3A_155, %cond3A_156 : i32
          scf.if %cond3A_157 {
            %dma_start3A = arith.constant 0 : i32
            %dma_start3A_158 = arith.constant 0 : i32
            %dma_start3A_159 = tpu.memref_slice %arg6[%dma_start3A, %dma_start3A_158] : memref<4x6400xf32, #tpu.memory_space<vmem>> -> memref<4x1536xf32, #tpu.memory_space<vmem>>
            %dma_start3A_160 = arith.constant 0 : i32
            %dma_start3A_161 = arith.constant 998400 : i32
            %dma_start3A_162 = tpu.memref_slice %arg3[%dma_start3A_160, %dma_start3A_161] : memref<4x1000000xf32, #tpu.memory_space<hbm>> -> memref<4x1536xf32, #tpu.memory_space<hbm>>
            %dma_start3A_163 = arith.constant 0 : i32
            %dma_start3A_164 = arith.constant 998400 : i32
            %dma_start3A_165 = tpu.memref_slice %arg3[%dma_start3A_163, %dma_start3A_164] : memref<4x1000000xf32, #tpu.memory_space<hbm>> -> memref<4x1536xf32, #tpu.memory_space<hbm>>
            %dma_start3A_166 = arith.constant 0 : i32
            %dma_start3A_167 = arith.constant 0 : i32
            %dma_start3A_168 = tpu.memref_slice %arg6[%dma_start3A_166, %dma_start3A_167] : memref<4x6400xf32, #tpu.memory_space<vmem>> -> memref<4x1536xf32, #tpu.memory_space<vmem>>
            tpu.enqueue_dma source(%dma_start3A_168 : memref<4x1536xf32, #tpu.memory_space<vmem>>) target(%dma_start3A_165 : memref<4x1536xf32, #tpu.memory_space<hbm>>) target_semaphore(%arg10 : memref<!tpu.dma_semaphore, #tpu.memory_space<semaphore_mem>>)
          } else {
          }
        } else {
        }
      } else {
      }
      %rem3A_70 = arith.constant 2 : i32
      %rem3A_71 = arith.remsi %scan3A_63, %rem3A_70 : i32
      %eq3A_72 = arith.constant 1 : i32
      %eq3A_73 = arith.cmpi eq, %rem3A_71, %eq3A_72 : i32
      %convert_element_type3A_74 = arith.extui %eq3A_73 : i1 to i32
      %cond3A_75 = arith.constant 0 : i32
      %cond3A_76 = arith.cmpi ne, %convert_element_type3A_74, %cond3A_75 : i32
      scf.if %cond3A_76 {
        %add3A_77 = arith.constant 1 : i32
        %add3A_78 = arith.addi %scan3A_63, %add3A_77 : i32
        %mul3A_79 = arith.constant 32 : i32
        %mul3A_80 = arith.muli %add3A_78, %mul3A_79 : i32
        %add3A_81 = arith.addi %add3A, %mul3A_80 : i32
        %lt3A_82 = arith.constant 157 : i32
        %lt3A_83 = arith.cmpi slt, %add3A_81, %lt3A_82 : i32
        %mul3A_84 = arith.constant 32 : i32
        %mul3A_85 = arith.muli %add3A_78, %mul3A_84 : i32
        %add3A_86 = arith.addi %add3A, %mul3A_85 : i32
        %eq3A_87 = arith.constant 156 : i32
        %eq3A_88 = arith.cmpi eq, %add3A_86, %eq3A_87 : i32
        %not3A_89 = arith.constant true
        %not3A_90 = arith.xori %eq3A_88, %not3A_89 : i1
        %and3A_91 = arith.andi %lt3A_83, %not3A_90 : i1
        %convert_element_type3A_92 = arith.extui %and3A_91 : i1 to i32
        %cond3A_93 = arith.constant 0 : i32
        %cond3A_94 = arith.cmpi ne, %convert_element_type3A_92, %cond3A_93 : i32
        scf.if %cond3A_94 {
          %mul3A_111 = arith.constant 32 : i32
          %mul3A_112 = arith.muli %add3A_78, %mul3A_111 : i32
          %add3A_113 = arith.addi %add3A, %mul3A_112 : i32
          %mul3A_114 = arith.constant 6400 : i32
          %mul3A_115 = arith.muli %add3A_113, %mul3A_114 : i32
          %dma_start3A = tpu.memref_slice %arg2[%mul3A_115] : memref<1000000xi32, #tpu.memory_space<hbm>> -> memref<6400xi32, #tpu.memory_space<hbm>>
          %dma_start3A_116 = tpu.memref_slice %arg2[%mul3A_115] : memref<1000000xi32, #tpu.memory_space<hbm>> -> memref<6400xi32, #tpu.memory_space<hbm>>
          tpu.enqueue_dma source(%dma_start3A_116 : memref<6400xi32, #tpu.memory_space<hbm>>) target(%arg4 : memref<6400xi32, #tpu.memory_space<vmem>>) target_semaphore(%arg8 : memref<!tpu.dma_semaphore, #tpu.memory_space<semaphore_mem>>)
        } else {
        }
        %mul3A_95 = arith.constant 32 : i32
        %mul3A_96 = arith.muli %add3A_78, %mul3A_95 : i32
        %add3A_97 = arith.addi %add3A, %mul3A_96 : i32
        %eq3A_98 = arith.constant 156 : i32
        %eq3A_99 = arith.cmpi eq, %add3A_97, %eq3A_98 : i32
        %convert_element_type3A_100 = arith.extui %eq3A_99 : i1 to i32
        %cond3A_101 = arith.constant 0 : i32
        %cond3A_102 = arith.cmpi ne, %convert_element_type3A_100, %cond3A_101 : i32
        scf.if %cond3A_102 {
          %dma_start3A = arith.constant 0 : i32
          %dma_start3A_111 = tpu.memref_slice %arg4[%dma_start3A] : memref<6400xi32, #tpu.memory_space<vmem>> -> memref<1536xi32, #tpu.memory_space<vmem>>
          %dma_start3A_112 = arith.constant 998400 : i32
          %dma_start3A_113 = tpu.memref_slice %arg2[%dma_start3A_112] : memref<1000000xi32, #tpu.memory_space<hbm>> -> memref<1536xi32, #tpu.memory_space<hbm>>
          %dma_start3A_114 = arith.constant 0 : i32
          %dma_start3A_115 = tpu.memref_slice %arg4[%dma_start3A_114] : memref<6400xi32, #tpu.memory_space<vmem>> -> memref<1536xi32, #tpu.memory_space<vmem>>
          %dma_start3A_116 = arith.constant 998400 : i32
          %dma_start3A_117 = tpu.memref_slice %arg2[%dma_start3A_116] : memref<1000000xi32, #tpu.memory_space<hbm>> -> memref<1536xi32, #tpu.memory_space<hbm>>
          tpu.enqueue_dma source(%dma_start3A_117 : memref<1536xi32, #tpu.memory_space<hbm>>) target(%dma_start3A_115 : memref<1536xi32, #tpu.memory_space<vmem>>) target_semaphore(%arg8 : memref<!tpu.dma_semaphore, #tpu.memory_space<semaphore_mem>>)
        } else {
        }
        %mul3A_103 = arith.constant 32 : i32
        %mul3A_104 = arith.muli %scan3A_63, %mul3A_103 : i32
        %add3A_105 = arith.addi %add3A, %mul3A_104 : i32
        %lt3A_106 = arith.constant 157 : i32
        %lt3A_107 = arith.cmpi slt, %add3A_105, %lt3A_106 : i32
        %convert_element_type3A_108 = arith.extui %lt3A_107 : i1 to i32
        %cond3A_109 = arith.constant 0 : i32
        %cond3A_110 = arith.cmpi ne, %convert_element_type3A_108, %cond3A_109 : i32
        scf.if %cond3A_110 {
          %mul3A_111 = arith.constant 32 : i32
          %mul3A_112 = arith.muli %scan3A_63, %mul3A_111 : i32
          %add3A_113 = arith.addi %add3A, %mul3A_112 : i32
          %eq3A_114 = arith.constant 156 : i32
          %eq3A_115 = arith.cmpi eq, %add3A_113, %eq3A_114 : i32
          %not3A_116 = arith.constant true
          %not3A_117 = arith.xori %eq3A_115, %not3A_116 : i1
          %convert_element_type3A_118 = arith.extui %not3A_117 : i1 to i32
          %cond3A_119 = arith.constant 0 : i32
          %cond3A_120 = arith.cmpi ne, %convert_element_type3A_118, %cond3A_119 : i32
          scf.if %cond3A_120 {
            %mul3A_158 = arith.constant 32 : i32
            %mul3A_159 = arith.muli %scan3A_63, %mul3A_158 : i32
            %add3A_160 = arith.addi %add3A, %mul3A_159 : i32
            %mul3A_161 = arith.constant 6400 : i32
            %mul3A_162 = arith.muli %add3A_160, %mul3A_161 : i32
            %dma_wait3A = tpu.memref_slice %arg2[%mul3A_162] : memref<1000000xi32, #tpu.memory_space<hbm>> -> memref<6400xi32, #tpu.memory_space<hbm>>
            %dma_wait3A_163 = tpu.memref_slice %arg2[%mul3A_162] : memref<1000000xi32, #tpu.memory_space<hbm>> -> memref<6400xi32, #tpu.memory_space<hbm>>
            tpu.wait_dma2 semaphore(%arg9 : memref<!tpu.dma_semaphore, #tpu.memory_space<semaphore_mem>>) src(%dma_wait3A_163 : memref<6400xi32, #tpu.memory_space<hbm>>) dst(%arg5 : memref<6400xi32, #tpu.memory_space<vmem>>)
          } else {
          }
          %mul3A_121 = arith.constant 32 : i32
          %mul3A_122 = arith.muli %scan3A_63, %mul3A_121 : i32
          %add3A_123 = arith.addi %add3A, %mul3A_122 : i32
          %eq3A_124 = arith.constant 156 : i32
          %eq3A_125 = arith.cmpi eq, %add3A_123, %eq3A_124 : i32
          %convert_element_type3A_126 = arith.extui %eq3A_125 : i1 to i32
          %cond3A_127 = arith.constant 0 : i32
          %cond3A_128 = arith.cmpi ne, %convert_element_type3A_126, %cond3A_127 : i32
          scf.if %cond3A_128 {
            %dma_wait3A = arith.constant 0 : i32
            %dma_wait3A_158 = tpu.memref_slice %arg5[%dma_wait3A] : memref<6400xi32, #tpu.memory_space<vmem>> -> memref<1536xi32, #tpu.memory_space<vmem>>
            %dma_wait3A_159 = arith.constant 998400 : i32
            %dma_wait3A_160 = tpu.memref_slice %arg2[%dma_wait3A_159] : memref<1000000xi32, #tpu.memory_space<hbm>> -> memref<1536xi32, #tpu.memory_space<hbm>>
            %dma_wait3A_161 = arith.constant 0 : i32
            %dma_wait3A_162 = tpu.memref_slice %arg5[%dma_wait3A_161] : memref<6400xi32, #tpu.memory_space<vmem>> -> memref<1536xi32, #tpu.memory_space<vmem>>
            %dma_wait3A_163 = arith.constant 998400 : i32
            %dma_wait3A_164 = tpu.memref_slice %arg2[%dma_wait3A_163] : memref<1000000xi32, #tpu.memory_space<hbm>> -> memref<1536xi32, #tpu.memory_space<hbm>>
            tpu.wait_dma2 semaphore(%arg9 : memref<!tpu.dma_semaphore, #tpu.memory_space<semaphore_mem>>) src(%dma_wait3A_164 : memref<1536xi32, #tpu.memory_space<hbm>>) dst(%dma_wait3A_162 : memref<1536xi32, #tpu.memory_space<vmem>>)
          } else {
          }
          %ge3A = arith.constant 2 : i32
          %ge3A_129 = arith.cmpi sge, %scan3A_63, %ge3A : i32
          %convert_element_type3A_130 = arith.extui %ge3A_129 : i1 to i32
          %cond3A_131 = arith.constant 0 : i32
          %cond3A_132 = arith.cmpi ne, %convert_element_type3A_130, %cond3A_131 : i32
          scf.if %cond3A_132 {
            %sub3A = arith.constant 2 : i32
            %sub3A_158 = arith.subi %scan3A_63, %sub3A : i32
            %mul3A_159 = arith.constant 32 : i32
            %mul3A_160 = arith.muli %sub3A_158, %mul3A_159 : i32
            %add3A_161 = arith.addi %add3A, %mul3A_160 : i32
            %eq3A_162 = arith.constant 156 : i32
            %eq3A_163 = arith.cmpi eq, %add3A_161, %eq3A_162 : i32
            %not3A_164 = arith.constant true
            %not3A_165 = arith.xori %eq3A_163, %not3A_164 : i1
            %convert_element_type3A_166 = arith.extui %not3A_165 : i1 to i32
            %cond3A_167 = arith.constant 0 : i32
            %cond3A_168 = arith.cmpi ne, %convert_element_type3A_166, %cond3A_167 : i32
            scf.if %cond3A_168 {
              %mul3A_177 = arith.constant 32 : i32
              %mul3A_178 = arith.muli %sub3A_158, %mul3A_177 : i32
              %add3A_179 = arith.addi %add3A, %mul3A_178 : i32
              %mul3A_180 = arith.constant 6400 : i32
              %mul3A_181 = arith.muli %add3A_179, %mul3A_180 : i32
              %dma_wait3A = arith.constant 0 : i32
              %dma_wait3A_182 = tpu.memref_slice %arg3[%dma_wait3A, %mul3A_181] : memref<4x1000000xf32, #tpu.memory_space<hbm>> -> memref<4x6400xf32, #tpu.memory_space<hbm>>
              %dma_wait3A_183 = arith.constant 0 : i32
              %dma_wait3A_184 = tpu.memref_slice %arg3[%dma_wait3A_183, %mul3A_181] : memref<4x1000000xf32, #tpu.memory_space<hbm>> -> memref<4x6400xf32, #tpu.memory_space<hbm>>
              tpu.wait_dma2 semaphore(%arg11 : memref<!tpu.dma_semaphore, #tpu.memory_space<semaphore_mem>>) src(%arg7 : memref<4x6400xf32, #tpu.memory_space<vmem>>) dst(%dma_wait3A_184 : memref<4x6400xf32, #tpu.memory_space<hbm>>)
            } else {
            }
            %mul3A_169 = arith.constant 32 : i32
            %mul3A_170 = arith.muli %sub3A_158, %mul3A_169 : i32
            %add3A_171 = arith.addi %add3A, %mul3A_170 : i32
            %eq3A_172 = arith.constant 156 : i32
            %eq3A_173 = arith.cmpi eq, %add3A_171, %eq3A_172 : i32
            %convert_element_type3A_174 = arith.extui %eq3A_173 : i1 to i32
            %cond3A_175 = arith.constant 0 : i32
            %cond3A_176 = arith.cmpi ne, %convert_element_type3A_174, %cond3A_175 : i32
            scf.if %cond3A_176 {
              %dma_wait3A = arith.constant 0 : i32
              %dma_wait3A_177 = arith.constant 0 : i32
              %dma_wait3A_178 = tpu.memref_slice %arg7[%dma_wait3A, %dma_wait3A_177] : memref<4x6400xf32, #tpu.memory_space<vmem>> -> memref<4x1536xf32, #tpu.memory_space<vmem>>
              %dma_wait3A_179 = arith.constant 0 : i32
              %dma_wait3A_180 = arith.constant 998400 : i32
              %dma_wait3A_181 = tpu.memref_slice %arg3[%dma_wait3A_179, %dma_wait3A_180] : memref<4x1000000xf32, #tpu.memory_space<hbm>> -> memref<4x1536xf32, #tpu.memory_space<hbm>>
              %dma_wait3A_182 = arith.constant 0 : i32
              %dma_wait3A_183 = arith.constant 998400 : i32
              %dma_wait3A_184 = tpu.memref_slice %arg3[%dma_wait3A_182, %dma_wait3A_183] : memref<4x1000000xf32, #tpu.memory_space<hbm>> -> memref<4x1536xf32, #tpu.memory_space<hbm>>
              %dma_wait3A_185 = arith.constant 0 : i32
              %dma_wait3A_186 = arith.constant 0 : i32
              %dma_wait3A_187 = tpu.memref_slice %arg7[%dma_wait3A_185, %dma_wait3A_186] : memref<4x6400xf32, #tpu.memory_space<vmem>> -> memref<4x1536xf32, #tpu.memory_space<vmem>>
              tpu.wait_dma2 semaphore(%arg11 : memref<!tpu.dma_semaphore, #tpu.memory_space<semaphore_mem>>) src(%dma_wait3A_187 : memref<4x1536xf32, #tpu.memory_space<vmem>>) dst(%dma_wait3A_184 : memref<4x1536xf32, #tpu.memory_space<hbm>>)
            } else {
            }
          } else {
          }
          %broadcast_in_dim3A = arith.constant 1.000000e+00 : f32
          %broadcast_in_dim3A_133 = vector.broadcast %broadcast_in_dim3A : f32 to vector<16xf32>
          %broadcast_in_dim3A_134 = arith.constant 2.500000e-01 : f32
          %broadcast_in_dim3A_135 = vector.broadcast %broadcast_in_dim3A_134 : f32 to vector<16xf32>
          %broadcast_in_dim3A_136 = arith.constant 0.000000e+00 : f32
          %broadcast_in_dim3A_137 = vector.broadcast %broadcast_in_dim3A_136 : f32 to vector<16xf32>
          %parallel_loop3A = arith.constant 0 : i32
          %parallel_loop3A_138 = arith.constant 6400 : i32
          %parallel_loop3A_139 = arith.constant 16 : i32
          scf.for %parallel_loop3A_158 = %parallel_loop3A to %parallel_loop3A_138 step %parallel_loop3A_139  : i32 {
            %parallel_loop3A_159 = tpu.assume_multiple %parallel_loop3A_158, 16 : i32
            %parallel_loop3A_160 = arith.index_cast %parallel_loop3A_159 : i32 to index
            %parallel_loop3A_161 = tpu.vector_load %arg5[%parallel_loop3A_160] {strides = array<i32>} : memref<6400xi32, #tpu.memory_space<vmem>>, vector<16xi32>,
            %parallel_loop3A_162 = vector.shape_cast %parallel_loop3A_161 : vector<16xi32> to vector<16xi32>
            %parallel_loop3A_163 = arith.constant 4 : i32
            %parallel_loop3A_164 = vector.broadcast %parallel_loop3A_163 : i32 to vector<16xi32>
            %parallel_loop3A_165 = arith.cmpi eq, %parallel_loop3A_162, %parallel_loop3A_164 : vector<16xi32>
            %parallel_loop3A_166 = arith.select %parallel_loop3A_165, %broadcast_in_dim3A_135, %broadcast_in_dim3A_137 : vector<16xi1>, vector<16xf32>
            %parallel_loop3A_167 = arith.constant 0 : i32
            %parallel_loop3A_168 = vector.broadcast %parallel_loop3A_167 : i32 to vector<16xi32>
            %parallel_loop3A_169 = arith.cmpi eq, %parallel_loop3A_162, %parallel_loop3A_168 : vector<16xi32>
            %parallel_loop3A_170 = arith.select %parallel_loop3A_169, %broadcast_in_dim3A_133, %parallel_loop3A_166 : vector<16xi1>, vector<16xf32>
            %parallel_loop3A_171 = arith.constant 0 : i32
            %parallel_loop3A_172 = arith.index_cast %parallel_loop3A_171 : i32 to index
            %parallel_loop3A_173 = arith.index_cast %parallel_loop3A_159 : i32 to index
            %parallel_loop3A_174 = tpu.vector_load %arg7[%parallel_loop3A_172, %parallel_loop3A_173] {strides = array<i32>} : memref<4x6400xf32, #tpu.memory_space<vmem>>, vector<1x16xf32>,
            %parallel_loop3A_175 = vector.shape_cast %parallel_loop3A_174 : vector<1x16xf32> to vector<16xf32>
            %parallel_loop3A_176 = vector.shape_cast %parallel_loop3A_170 : vector<16xf32> to vector<1x16xf32>
            tpu.vector_store %arg7[%parallel_loop3A_172, %parallel_loop3A_173], %parallel_loop3A_176 {strides = array<i32>} : memref<4x6400xf32, #tpu.memory_space<vmem>>, vector<1x16xf32>,
            %parallel_loop3A_177 = arith.constant 1 : i32
            %parallel_loop3A_178 = vector.broadcast %parallel_loop3A_177 : i32 to vector<16xi32>
            %parallel_loop3A_179 = arith.cmpi eq, %parallel_loop3A_162, %parallel_loop3A_178 : vector<16xi32>
            %parallel_loop3A_180 = arith.select %parallel_loop3A_179, %broadcast_in_dim3A_133, %parallel_loop3A_166 : vector<16xi1>, vector<16xf32>
            %parallel_loop3A_181 = arith.constant 1 : i32
            %parallel_loop3A_182 = arith.index_cast %parallel_loop3A_181 : i32 to index
            %parallel_loop3A_183 = arith.index_cast %parallel_loop3A_159 : i32 to index
            %parallel_loop3A_184 = tpu.vector_load %arg7[%parallel_loop3A_182, %parallel_loop3A_183] {strides = array<i32>} : memref<4x6400xf32, #tpu.memory_space<vmem>>, vector<1x16xf32>,
            %parallel_loop3A_185 = vector.shape_cast %parallel_loop3A_184 : vector<1x16xf32> to vector<16xf32>
            %parallel_loop3A_186 = vector.shape_cast %parallel_loop3A_180 : vector<16xf32> to vector<1x16xf32>
            tpu.vector_store %arg7[%parallel_loop3A_182, %parallel_loop3A_183], %parallel_loop3A_186 {strides = array<i32>} : memref<4x6400xf32, #tpu.memory_space<vmem>>, vector<1x16xf32>,
            %parallel_loop3A_187 = arith.constant 2 : i32
            %parallel_loop3A_188 = vector.broadcast %parallel_loop3A_187 : i32 to vector<16xi32>
            %parallel_loop3A_189 = arith.cmpi eq, %parallel_loop3A_162, %parallel_loop3A_188 : vector<16xi32>
            %parallel_loop3A_190 = arith.select %parallel_loop3A_189, %broadcast_in_dim3A_133, %parallel_loop3A_166 : vector<16xi1>, vector<16xf32>
            %parallel_loop3A_191 = arith.constant 2 : i32
            %parallel_loop3A_192 = arith.index_cast %parallel_loop3A_191 : i32 to index
            %parallel_loop3A_193 = arith.index_cast %parallel_loop3A_159 : i32 to index
            %parallel_loop3A_194 = tpu.vector_load %arg7[%parallel_loop3A_192, %parallel_loop3A_193] {strides = array<i32>} : memref<4x6400xf32, #tpu.memory_space<vmem>>, vector<1x16xf32>,
            %parallel_loop3A_195 = vector.shape_cast %parallel_loop3A_194 : vector<1x16xf32> to vector<16xf32>
            %parallel_loop3A_196 = vector.shape_cast %parallel_loop3A_190 : vector<16xf32> to vector<1x16xf32>
            tpu.vector_store %arg7[%parallel_loop3A_192, %parallel_loop3A_193], %parallel_loop3A_196 {strides = array<i32>} : memref<4x6400xf32, #tpu.memory_space<vmem>>, vector<1x16xf32>,
            %parallel_loop3A_197 = arith.constant 3 : i32
            %parallel_loop3A_198 = vector.broadcast %parallel_loop3A_197 : i32 to vector<16xi32>
            %parallel_loop3A_199 = arith.cmpi eq, %parallel_loop3A_162, %parallel_loop3A_198 : vector<16xi32>
            %parallel_loop3A_200 = arith.select %parallel_loop3A_199, %broadcast_in_dim3A_133, %parallel_loop3A_166 : vector<16xi1>, vector<16xf32>
            %parallel_loop3A_201 = arith.constant 3 : i32
            %parallel_loop3A_202 = arith.index_cast %parallel_loop3A_201 : i32 to index
            %parallel_loop3A_203 = arith.index_cast %parallel_loop3A_159 : i32 to index
            %parallel_loop3A_204 = tpu.vector_load %arg7[%parallel_loop3A_202, %parallel_loop3A_203] {strides = array<i32>} : memref<4x6400xf32, #tpu.memory_space<vmem>>, vector<1x16xf32>,
            %parallel_loop3A_205 = vector.shape_cast %parallel_loop3A_204 : vector<1x16xf32> to vector<16xf32>
            %parallel_loop3A_206 = vector.shape_cast %parallel_loop3A_200 : vector<16xf32> to vector<1x16xf32>
            tpu.vector_store %arg7[%parallel_loop3A_202, %parallel_loop3A_203], %parallel_loop3A_206 {strides = array<i32>} : memref<4x6400xf32, #tpu.memory_space<vmem>>, vector<1x16xf32>,
          } {sc.loop_unroll_factor = 4 : i64, sc.parallel_access}
          %mul3A_140 = arith.constant 32 : i32
          %mul3A_141 = arith.muli %scan3A_63, %mul3A_140 : i32
          %add3A_142 = arith.addi %add3A, %mul3A_141 : i32
          %eq3A_143 = arith.constant 156 : i32
          %eq3A_144 = arith.cmpi eq, %add3A_142, %eq3A_143 : i32
          %not3A_145 = arith.constant true
          %not3A_146 = arith.xori %eq3A_144, %not3A_145 : i1
          %convert_element_type3A_147 = arith.extui %not3A_146 : i1 to i32
          %cond3A_148 = arith.constant 0 : i32
          %cond3A_149 = arith.cmpi ne, %convert_element_type3A_147, %cond3A_148 : i32
          scf.if %cond3A_149 {
            %mul3A_158 = arith.constant 32 : i32
            %mul3A_159 = arith.muli %scan3A_63, %mul3A_158 : i32
            %add3A_160 = arith.addi %add3A, %mul3A_159 : i32
            %mul3A_161 = arith.constant 6400 : i32
            %mul3A_162 = arith.muli %add3A_160, %mul3A_161 : i32
            %dma_start3A = arith.constant 0 : i32
            %dma_start3A_163 = tpu.memref_slice %arg3[%dma_start3A, %mul3A_162] : memref<4x1000000xf32, #tpu.memory_space<hbm>> -> memref<4x6400xf32, #tpu.memory_space<hbm>>
            %dma_start3A_164 = arith.constant 0 : i32
            %dma_start3A_165 = tpu.memref_slice %arg3[%dma_start3A_164, %mul3A_162] : memref<4x1000000xf32, #tpu.memory_space<hbm>> -> memref<4x6400xf32, #tpu.memory_space<hbm>>
            tpu.enqueue_dma source(%arg7 : memref<4x6400xf32, #tpu.memory_space<vmem>>) target(%dma_start3A_165 : memref<4x6400xf32, #tpu.memory_space<hbm>>) target_semaphore(%arg11 : memref<!tpu.dma_semaphore, #tpu.memory_space<semaphore_mem>>)
          } else {
          }
          %mul3A_150 = arith.constant 32 : i32
          %mul3A_151 = arith.muli %scan3A_63, %mul3A_150 : i32
          %add3A_152 = arith.addi %add3A, %mul3A_151 : i32
          %eq3A_153 = arith.constant 156 : i32
          %eq3A_154 = arith.cmpi eq, %add3A_152, %eq3A_153 : i32
          %convert_element_type3A_155 = arith.extui %eq3A_154 : i1 to i32
          %cond3A_156 = arith.constant 0 : i32
          %cond3A_157 = arith.cmpi ne, %convert_element_type3A_155, %cond3A_156 : i32
          scf.if %cond3A_157 {
            %dma_start3A = arith.constant 0 : i32
            %dma_start3A_158 = arith.constant 0 : i32
            %dma_start3A_159 = tpu.memref_slice %arg7[%dma_start3A, %dma_start3A_158] : memref<4x6400xf32, #tpu.memory_space<vmem>> -> memref<4x1536xf32, #tpu.memory_space<vmem>>
            %dma_start3A_160 = arith.constant 0 : i32
            %dma_start3A_161 = arith.constant 998400 : i32
            %dma_start3A_162 = tpu.memref_slice %arg3[%dma_start3A_160, %dma_start3A_161] : memref<4x1000000xf32, #tpu.memory_space<hbm>> -> memref<4x1536xf32, #tpu.memory_space<hbm>>
            %dma_start3A_163 = arith.constant 0 : i32
            %dma_start3A_164 = arith.constant 998400 : i32
            %dma_start3A_165 = tpu.memref_slice %arg3[%dma_start3A_163, %dma_start3A_164] : memref<4x1000000xf32, #tpu.memory_space<hbm>> -> memref<4x1536xf32, #tpu.memory_space<hbm>>
            %dma_start3A_166 = arith.constant 0 : i32
            %dma_start3A_167 = arith.constant 0 : i32
            %dma_start3A_168 = tpu.memref_slice %arg7[%dma_start3A_166, %dma_start3A_167] : memref<4x6400xf32, #tpu.memory_space<vmem>> -> memref<4x1536xf32, #tpu.memory_space<vmem>>
            tpu.enqueue_dma source(%dma_start3A_168 : memref<4x1536xf32, #tpu.memory_space<vmem>>) target(%dma_start3A_165 : memref<4x1536xf32, #tpu.memory_space<hbm>>) target_semaphore(%arg11 : memref<!tpu.dma_semaphore, #tpu.memory_space<semaphore_mem>>)
          } else {
          }
        } else {
        }
      } else {
      }
    }
    %scan3A_20 = arith.constant 5 : i32
    %add3A_21 = arith.constant 64 : i32
    %add3A_22 = arith.addi %add3A, %add3A_21 : i32
    %lt3A_23 = arith.constant 157 : i32
    %lt3A_24 = arith.cmpi slt, %add3A_22, %lt3A_23 : i32
    %add3A_25 = arith.constant 128 : i32
    %add3A_26 = arith.addi %add3A, %add3A_25 : i32
    %lt3A_27 = arith.constant 157 : i32
    %lt3A_28 = arith.cmpi slt, %add3A_26, %lt3A_27 : i32
    %not3A_29 = arith.constant true
    %not3A_30 = arith.xori %lt3A_28, %not3A_29 : i1
    %and3A_31 = arith.andi %lt3A_24, %not3A_30 : i1
    %convert_element_type3A_32 = arith.extui %and3A_31 : i1 to i32
    %cond3A_33 = arith.constant 0 : i32
    %cond3A_34 = arith.cmpi ne, %convert_element_type3A_32, %cond3A_33 : i32
    scf.if %cond3A_34 {
      %add3A_63 = arith.constant 64 : i32
      %add3A_64 = arith.addi %add3A, %add3A_63 : i32
      %eq3A_65 = arith.constant 156 : i32
      %eq3A_66 = arith.cmpi eq, %add3A_64, %eq3A_65 : i32
      %not3A_67 = arith.constant true
      %not3A_68 = arith.xori %eq3A_66, %not3A_67 : i1
      %convert_element_type3A_69 = arith.extui %not3A_68 : i1 to i32
      %cond3A_70 = arith.constant 0 : i32
      %cond3A_71 = arith.cmpi ne, %convert_element_type3A_69, %cond3A_70 : i32
      scf.if %cond3A_71 {
        %add3A_79 = arith.constant 64 : i32
        %add3A_80 = arith.addi %add3A, %add3A_79 : i32
        %mul3A_81 = arith.constant 6400 : i32
        %mul3A_82 = arith.muli %add3A_80, %mul3A_81 : i32
        %dma_wait3A = arith.constant 0 : i32
        %dma_wait3A_83 = tpu.memref_slice %arg3[%dma_wait3A, %mul3A_82] : memref<4x1000000xf32, #tpu.memory_space<hbm>> -> memref<4x6400xf32, #tpu.memory_space<hbm>>
        %dma_wait3A_84 = arith.constant 0 : i32
        %dma_wait3A_85 = tpu.memref_slice %arg3[%dma_wait3A_84, %mul3A_82] : memref<4x1000000xf32, #tpu.memory_space<hbm>> -> memref<4x6400xf32, #tpu.memory_space<hbm>>
        tpu.wait_dma2 semaphore(%arg10 : memref<!tpu.dma_semaphore, #tpu.memory_space<semaphore_mem>>) src(%arg6 : memref<4x6400xf32, #tpu.memory_space<vmem>>) dst(%dma_wait3A_85 : memref<4x6400xf32, #tpu.memory_space<hbm>>)
      } else {
      }
      %add3A_72 = arith.constant 64 : i32
      %add3A_73 = arith.addi %add3A, %add3A_72 : i32
      %eq3A_74 = arith.constant 156 : i32
      %eq3A_75 = arith.cmpi eq, %add3A_73, %eq3A_74 : i32
      %convert_element_type3A_76 = arith.extui %eq3A_75 : i1 to i32
      %cond3A_77 = arith.constant 0 : i32
      %cond3A_78 = arith.cmpi ne, %convert_element_type3A_76, %cond3A_77 : i32
      scf.if %cond3A_78 {
        %dma_wait3A = arith.constant 0 : i32
        %dma_wait3A_79 = arith.constant 0 : i32
        %dma_wait3A_80 = tpu.memref_slice %arg6[%dma_wait3A, %dma_wait3A_79] : memref<4x6400xf32, #tpu.memory_space<vmem>> -> memref<4x1536xf32, #tpu.memory_space<vmem>>
        %dma_wait3A_81 = arith.constant 0 : i32
        %dma_wait3A_82 = arith.constant 998400 : i32
        %dma_wait3A_83 = tpu.memref_slice %arg3[%dma_wait3A_81, %dma_wait3A_82] : memref<4x1000000xf32, #tpu.memory_space<hbm>> -> memref<4x1536xf32, #tpu.memory_space<hbm>>
        %dma_wait3A_84 = arith.constant 0 : i32
        %dma_wait3A_85 = arith.constant 998400 : i32
        %dma_wait3A_86 = tpu.memref_slice %arg3[%dma_wait3A_84, %dma_wait3A_85] : memref<4x1000000xf32, #tpu.memory_space<hbm>> -> memref<4x1536xf32, #tpu.memory_space<hbm>>
        %dma_wait3A_87 = arith.constant 0 : i32
        %dma_wait3A_88 = arith.constant 0 : i32
        %dma_wait3A_89 = tpu.memref_slice %arg6[%dma_wait3A_87, %dma_wait3A_88] : memref<4x6400xf32, #tpu.memory_space<vmem>> -> memref<4x1536xf32, #tpu.memory_space<vmem>>
        tpu.wait_dma2 semaphore(%arg10 : memref<!tpu.dma_semaphore, #tpu.memory_space<semaphore_mem>>) src(%dma_wait3A_89 : memref<4x1536xf32, #tpu.memory_space<vmem>>) dst(%dma_wait3A_86 : memref<4x1536xf32, #tpu.memory_space<hbm>>)
      } else {
      }
    } else {
    }
    %add3A_35 = arith.constant 96 : i32
    %add3A_36 = arith.addi %add3A, %add3A_35 : i32
    %lt3A_37 = arith.constant 157 : i32
    %lt3A_38 = arith.cmpi slt, %add3A_36, %lt3A_37 : i32
    %add3A_39 = arith.constant 160 : i32
    %add3A_40 = arith.addi %add3A, %add3A_39 : i32
    %lt3A_41 = arith.constant 157 : i32
    %lt3A_42 = arith.cmpi slt, %add3A_40, %lt3A_41 : i32
    %not3A_43 = arith.constant true
    %not3A_44 = arith.xori %lt3A_42, %not3A_43 : i1
    %and3A_45 = arith.andi %lt3A_38, %not3A_44 : i1
    %convert_element_type3A_46 = arith.extui %and3A_45 : i1 to i32
    %cond3A_47 = arith.constant 0 : i32
    %cond3A_48 = arith.cmpi ne, %convert_element_type3A_46, %cond3A_47 : i32
    scf.if %cond3A_48 {
      %add3A_63 = arith.constant 96 : i32
      %add3A_64 = arith.addi %add3A, %add3A_63 : i32
      %eq3A_65 = arith.constant 156 : i32
      %eq3A_66 = arith.cmpi eq, %add3A_64, %eq3A_65 : i32
      %not3A_67 = arith.constant true
      %not3A_68 = arith.xori %eq3A_66, %not3A_67 : i1
      %convert_element_type3A_69 = arith.extui %not3A_68 : i1 to i32
      %cond3A_70 = arith.constant 0 : i32
      %cond3A_71 = arith.cmpi ne, %convert_element_type3A_69, %cond3A_70 : i32
      scf.if %cond3A_71 {
        %add3A_79 = arith.constant 96 : i32
        %add3A_80 = arith.addi %add3A, %add3A_79 : i32
        %mul3A_81 = arith.constant 6400 : i32
        %mul3A_82 = arith.muli %add3A_80, %mul3A_81 : i32
        %dma_wait3A = arith.constant 0 : i32
        %dma_wait3A_83 = tpu.memref_slice %arg3[%dma_wait3A, %mul3A_82] : memref<4x1000000xf32, #tpu.memory_space<hbm>> -> memref<4x6400xf32, #tpu.memory_space<hbm>>
        %dma_wait3A_84 = arith.constant 0 : i32
        %dma_wait3A_85 = tpu.memref_slice %arg3[%dma_wait3A_84, %mul3A_82] : memref<4x1000000xf32, #tpu.memory_space<hbm>> -> memref<4x6400xf32, #tpu.memory_space<hbm>>
        tpu.wait_dma2 semaphore(%arg11 : memref<!tpu.dma_semaphore, #tpu.memory_space<semaphore_mem>>) src(%arg7 : memref<4x6400xf32, #tpu.memory_space<vmem>>) dst(%dma_wait3A_85 : memref<4x6400xf32, #tpu.memory_space<hbm>>)
      } else {
      }
      %add3A_72 = arith.constant 96 : i32
      %add3A_73 = arith.addi %add3A, %add3A_72 : i32
      %eq3A_74 = arith.constant 156 : i32
      %eq3A_75 = arith.cmpi eq, %add3A_73, %eq3A_74 : i32
      %convert_element_type3A_76 = arith.extui %eq3A_75 : i1 to i32
      %cond3A_77 = arith.constant 0 : i32
      %cond3A_78 = arith.cmpi ne, %convert_element_type3A_76, %cond3A_77 : i32
      scf.if %cond3A_78 {
        %dma_wait3A = arith.constant 0 : i32
        %dma_wait3A_79 = arith.constant 0 : i32
        %dma_wait3A_80 = tpu.memref_slice %arg7[%dma_wait3A, %dma_wait3A_79] : memref<4x6400xf32, #tpu.memory_space<vmem>> -> memref<4x1536xf32, #tpu.memory_space<vmem>>
        %dma_wait3A_81 = arith.constant 0 : i32
        %dma_wait3A_82 = arith.constant 998400 : i32
        %dma_wait3A_83 = tpu.memref_slice %arg3[%dma_wait3A_81, %dma_wait3A_82] : memref<4x1000000xf32, #tpu.memory_space<hbm>> -> memref<4x1536xf32, #tpu.memory_space<hbm>>
        %dma_wait3A_84 = arith.constant 0 : i32
        %dma_wait3A_85 = arith.constant 998400 : i32
        %dma_wait3A_86 = tpu.memref_slice %arg3[%dma_wait3A_84, %dma_wait3A_85] : memref<4x1000000xf32, #tpu.memory_space<hbm>> -> memref<4x1536xf32, #tpu.memory_space<hbm>>
        %dma_wait3A_87 = arith.constant 0 : i32
        %dma_wait3A_88 = arith.constant 0 : i32
        %dma_wait3A_89 = tpu.memref_slice %arg7[%dma_wait3A_87, %dma_wait3A_88] : memref<4x6400xf32, #tpu.memory_space<vmem>> -> memref<4x1536xf32, #tpu.memory_space<vmem>>
        tpu.wait_dma2 semaphore(%arg11 : memref<!tpu.dma_semaphore, #tpu.memory_space<semaphore_mem>>) src(%dma_wait3A_89 : memref<4x1536xf32, #tpu.memory_space<vmem>>) dst(%dma_wait3A_86 : memref<4x1536xf32, #tpu.memory_space<hbm>>)
      } else {
      }
    } else {
    }
    %add3A_49 = arith.constant 128 : i32
    %add3A_50 = arith.addi %add3A, %add3A_49 : i32
    %lt3A_51 = arith.constant 157 : i32
    %lt3A_52 = arith.cmpi slt, %add3A_50, %lt3A_51 : i32
    %add3A_53 = arith.constant 192 : i32
    %add3A_54 = arith.addi %add3A, %add3A_53 : i32
    %lt3A_55 = arith.constant 157 : i32
    %lt3A_56 = arith.cmpi slt, %add3A_54, %lt3A_55 : i32
    %not3A_57 = arith.constant true
    %not3A_58 = arith.xori %lt3A_56, %not3A_57 : i1
    %and3A_59 = arith.andi %lt3A_52, %not3A_58 : i1
    %convert_element_type3A_60 = arith.extui %and3A_59 : i1 to i32
    %cond3A_61 = arith.constant 0 : i32
    %cond3A_62 = arith.cmpi ne, %convert_element_type3A_60, %cond3A_61 : i32
    scf.if %cond3A_62 {
      %add3A_63 = arith.constant 128 : i32
      %add3A_64 = arith.addi %add3A, %add3A_63 : i32
      %eq3A_65 = arith.constant 156 : i32
      %eq3A_66 = arith.cmpi eq, %add3A_64, %eq3A_65 : i32
      %not3A_67 = arith.constant true
      %not3A_68 = arith.xori %eq3A_66, %not3A_67 : i1
      %convert_element_type3A_69 = arith.extui %not3A_68 : i1 to i32
      %cond3A_70 = arith.constant 0 : i32
      %cond3A_71 = arith.cmpi ne, %convert_element_type3A_69, %cond3A_70 : i32
      scf.if %cond3A_71 {
        %add3A_79 = arith.constant 128 : i32
        %add3A_80 = arith.addi %add3A, %add3A_79 : i32
        %mul3A_81 = arith.constant 6400 : i32
        %mul3A_82 = arith.muli %add3A_80, %mul3A_81 : i32
        %dma_wait3A = arith.constant 0 : i32
        %dma_wait3A_83 = tpu.memref_slice %arg3[%dma_wait3A, %mul3A_82] : memref<4x1000000xf32, #tpu.memory_space<hbm>> -> memref<4x6400xf32, #tpu.memory_space<hbm>>
        %dma_wait3A_84 = arith.constant 0 : i32
        %dma_wait3A_85 = tpu.memref_slice %arg3[%dma_wait3A_84, %mul3A_82] : memref<4x1000000xf32, #tpu.memory_space<hbm>> -> memref<4x6400xf32, #tpu.memory_space<hbm>>
        tpu.wait_dma2 semaphore(%arg10 : memref<!tpu.dma_semaphore, #tpu.memory_space<semaphore_mem>>) src(%arg6 : memref<4x6400xf32, #tpu.memory_space<vmem>>) dst(%dma_wait3A_85 : memref<4x6400xf32, #tpu.memory_space<hbm>>)
      } else {
      }
      %add3A_72 = arith.constant 128 : i32
      %add3A_73 = arith.addi %add3A, %add3A_72 : i32
      %eq3A_74 = arith.constant 156 : i32
      %eq3A_75 = arith.cmpi eq, %add3A_73, %eq3A_74 : i32
      %convert_element_type3A_76 = arith.extui %eq3A_75 : i1 to i32
      %cond3A_77 = arith.constant 0 : i32
      %cond3A_78 = arith.cmpi ne, %convert_element_type3A_76, %cond3A_77 : i32
      scf.if %cond3A_78 {
        %dma_wait3A = arith.constant 0 : i32
        %dma_wait3A_79 = arith.constant 0 : i32
        %dma_wait3A_80 = tpu.memref_slice %arg6[%dma_wait3A, %dma_wait3A_79] : memref<4x6400xf32, #tpu.memory_space<vmem>> -> memref<4x1536xf32, #tpu.memory_space<vmem>>
        %dma_wait3A_81 = arith.constant 0 : i32
        %dma_wait3A_82 = arith.constant 998400 : i32
        %dma_wait3A_83 = tpu.memref_slice %arg3[%dma_wait3A_81, %dma_wait3A_82] : memref<4x1000000xf32, #tpu.memory_space<hbm>> -> memref<4x1536xf32, #tpu.memory_space<hbm>>
        %dma_wait3A_84 = arith.constant 0 : i32
        %dma_wait3A_85 = arith.constant 998400 : i32
        %dma_wait3A_86 = tpu.memref_slice %arg3[%dma_wait3A_84, %dma_wait3A_85] : memref<4x1000000xf32, #tpu.memory_space<hbm>> -> memref<4x1536xf32, #tpu.memory_space<hbm>>
        %dma_wait3A_87 = arith.constant 0 : i32
        %dma_wait3A_88 = arith.constant 0 : i32
        %dma_wait3A_89 = tpu.memref_slice %arg6[%dma_wait3A_87, %dma_wait3A_88] : memref<4x6400xf32, #tpu.memory_space<vmem>> -> memref<4x1536xf32, #tpu.memory_space<vmem>>
        tpu.wait_dma2 semaphore(%arg10 : memref<!tpu.dma_semaphore, #tpu.memory_space<semaphore_mem>>) src(%dma_wait3A_89 : memref<4x1536xf32, #tpu.memory_space<vmem>>) dst(%dma_wait3A_86 : memref<4x1536xf32, #tpu.memory_space<hbm>>)
      } else {
      }
    } else {
    }
    return
  }
}

</mosaic_0001>

<sc_bundles>
// kernel: kernel.3.cloned.1.call-start
scs
__scs_entry_jumppad:
0x0: {  	(pc) =	sbr.rel $0x88, $3  }
0x1: {  	(tag) =	ssettag $0x0;
	lr =	simm.s32 $0x1  }
0x2: {  	[smem:$0x3FA0] =	sst lr;
	_ =	strace $0xD0000000  }
0x3: {  	_ = 	snop  }
0x4: {  	_ = 	snop  }
0x5: {  	_ = 	snop  }
0x6: {  	_ = 	snop  }
0x7: {  	_ = 	snop  }
__scs_overlays_trampoline_lowered:
0x8: {  	[smem:$0x3FAF] =	sst s0  }
0x9: {  	[smem:$0x3FB0] =	sst s1  }
0xa: {  	[smem:$0x3FB1] =	sst s2  }
0xb: {  	[smem:$0x3FB2] =	sst s3  }
0xc: {  	[smem:$0x3FB3] =	sst s4  }
0xd: {  	[smem:$0x3FB4] =	sst s5  }
0xe: {  	[smem:$0x3FB5] =	sst s6  }
0xf: {  	[smem:$0x3FB6] =	sst s7  }
0x10: {  	[smem:$0x3FB7] =	sst s8  }
0x11: {  	[smem:$0x3FB8] =	sst s9;
	s0 =	simm.s32 @!p0 $0x0  }
0x12: {  	s1 =	sld [smem:$0x3F9E];
	s0 =	simm.s32 @p0 $0x1  }
0x13: {  	[smem:$0x3FB9] =	sst s0;
	s0 =	simm.s32 @!p1 $0x0  }
0x14: {  	s2 =	sld [smem:$0x3F9D];
	s0 =	simm.s32 @p1 $0x1  }
0x15: {  	[smem:$0x3FBA] =	sst s0;
	s0 =	simm.s32 @!p2 $0x0  }
0x16: {  	s3 =	sld [smem:$0x3FDB];
	s0 =	simm.s32 @p2 $0x1  }
0x17: {  	s4 =	simm.s32 $0x1BF5;
	[smem:$0x3FBC] =	sst s0  }
0x18: {  	s0 =	sld [smem:$0x3F9F];
	_ =	swait.ge [sflag:s4], $0x0  }
0x19: {  	s7 =	sld [smem:$0x3FA0]  }
0x1a: {  	s8 =	sadd.s32 $0xFFFFE003, lr  }
0x1b: {  	s9 =	sadd.s32 $0xFFFFFEF7, lr;
	s5 =	simm.s32 $0xFFFFFFFF;
	p2 =	slt.u32 s8, $0xFFFFF086  }
0x1c: {  	p1 =	slt.u32 s9, $0xF7A;
	s5 =	simm.s32 @!p2 $0x0  }
0x1d: {  	s5 =	simm.s32 @p1 $0x1;
	p0 =	seq.s32 s7, s2  }
0x1e: {  	s7 =	smul.u32 @!p0 $0xF7A, s2;
	p2 =	seq.s32 @!p0 s5, $0x0  }
0x1f: {  	s9 =	smul.u32 $0xF7A, s1;
	s8 =	simm.s32 @!p0 $0x1BF5;
	p2 =	por !p2, p0  }
0x20: {  	[sflag:s8] =	ssyncset.s32 @!p0 $0xFFFFF086;
	s6 =	sadd.s32 @!p0 s3, s7;
	s7 =	simm.s32 @!p0 $0x108  }
0x21: {  	s3 =	sadd.s32 s3, s9;
	s6 =	sadd.s32 @!p0 $0x88, s6;
	s7 =	simm.s32 @p2 $0x1082  }
0x22: {  	[simem:s7], [sflag:s8] =	dma.local @!p0 [hbm:s6], $0xF7A  }
0x23: {  	s9 =	sor.u32 $0xD0000000, s2;
	s6 =	simm.s32 $0x108;
	_ =	swait.ge @!p0 [sflag:s8], $0x0  }
0x24: {  	s3 =	sadd.s32 $0x88, s3;
	s6 =	simm.s32 @!p1 $0x1082;
	[sflag:s4] =	ssyncset.s32 $0xFFFFF086  }
0x25: {  	[simem:s6], [sflag:s4] =	dma.local [hbm:s3], $0xF7A  }
0x26: {  	[smem:$0x3FA0] =	sst s1;
	(tag) =	ssettag s2;
	_ =	strace s9  }
0x27: {  	s1 =	sld [smem:$0x3FB0]  }
0x28: {  	s2 =	sld [smem:$0x3FB1]  }
0x29: {  	s4 =	sld [smem:$0x3FB3]  }
0x2a: {  	p0 =	seq.s32 s5, $0x0;
	s5 =	sld [smem:$0x3FB4]  }
0x2b: {  	s6 =	sld [smem:$0x3FB5]  }
0x2c: {  	s7 =	sld [smem:$0x3FB6]  }
0x2d: {  	s3 =	simm.s32 $0x108;
	s8 =	sld [smem:$0x3FB7]  }
0x2e: {  	s3 =	simm.s32 @!p0 $0x1082;
	s9 =	sld [smem:$0x3FB8]  }
0x2f: {  	lr =	sadd.s32 s0, s3;
	s0 =	sld [smem:$0x3FAF]  }
0x30: {  	s3 =	sld [smem:$0x3FB2]  }
0x31: {  	[smem:$0x3FBB] =	sst s10  }
0x32: {  	s10 =	sld [smem:$0x3FB9];
	_ =	sdelay $0x3  }
0x33: {  	p0 =	seq.s32 s10, $0x1;
	s10 =	sld [smem:$0x3FBB];
	_ =	sdelay $0x3  }
0x34: {  	[smem:$0x3FBB] =	sst s10  }
0x35: {  	s10 =	sld [smem:$0x3FBA];
	_ =	sdelay $0x3  }
0x36: {  	p1 =	seq.s32 s10, $0x1;
	s10 =	sld [smem:$0x3FBB];
	_ =	sdelay $0x3  }
0x37: {  	[smem:$0x3FBB] =	sst s10  }
0x38: {  	s10 =	sld [smem:$0x3FBC]  }
0x39: {  	_ = 	snop;
	(pc) =	sbr.ind lr, $3  }
0x3a: {  	_ = 	snop  }
0x3b: {  	_ = 	snop  }
0x3c: {  	p2 =	seq.s32 s10, $0x1;
	s10 =	sld [smem:$0x3FBB]  }
0x3d: {  	_ =	shalt  }
0x3e: {  	_ =	shalt  }
0x3f: {  	_ =	shalt  }
0x40: {  	_ =	shalt  }
0x41: {  	_ =	shalt  }
0x42: {  	_ =	shalt  }
0x43: {  	_ =	shalt  }
0x44: {  	_ =	shalt  }
0x45: {  	_ =	shalt  }
0x46: {  	_ =	shalt  }
0x47: {  	_ =	shalt  }
0x48: {  	_ =	shalt  }
0x49: {  	_ =	shalt  }
0x4a: {  	_ =	shalt  }
0x4b: {  	_ =	shalt  }
0x4c: {  	_ =	shalt  }
0x4d: {  	_ =	shalt  }
0x4e: {  	_ =	shalt  }
0x4f: {  	_ =	shalt  }
0x50: {  	_ =	shalt  }
0x51: {  	_ =	shalt  }
0x52: {  	_ =	shalt  }
0x53: {  	_ =	shalt  }
0x54: {  	_ =	shalt  }
0x55: {  	_ =	shalt  }
0x56: {  	_ =	shalt  }
0x57: {  	_ =	shalt  }
0x58: {  	_ =	shalt  }
0x59: {  	_ =	shalt  }
0x5a: {  	_ =	shalt  }
0x5b: {  	_ =	shalt  }
0x5c: {  	_ =	shalt  }
0x5d: {  	_ =	shalt  }
0x5e: {  	_ =	shalt  }
0x5f: {  	_ =	shalt  }
0x60: {  	_ =	shalt  }
0x61: {  	_ =	shalt  }
0x62: {  	_ =	shalt  }
0x63: {  	_ =	shalt  }
0x64: {  	_ =	shalt  }
0x65: {  	_ =	shalt  }
0x66: {  	_ =	shalt  }
0x67: {  	_ =	shalt  }
0x68: {  	_ =	shalt  }
0x69: {  	_ =	shalt  }
0x6a: {  	_ =	shalt  }
0x6b: {  	_ =	shalt  }
0x6c: {  	_ =	shalt  }
0x6d: {  	_ =	shalt  }
0x6e: {  	_ =	shalt  }
0x6f: {  	_ =	shalt  }
0x70: {  	_ =	shalt  }
0x71: {  	_ =	shalt  }
0x72: {  	_ =	shalt  }
0x73: {  	_ =	shalt  }
0x74: {  	_ =	shalt  }
0x75: {  	_ =	shalt  }
0x76: {  	_ =	shalt  }
0x77: {  	_ =	shalt  }
0x78: {  	_ =	shalt  }
0x79: {  	_ =	shalt  }
0x7a: {  	_ =	shalt  }
0x7b: {  	_ =	shalt  }
0x7c: {  	_ =	shalt  }
0x7d: {  	_ =	shalt  }
0x7e: {  	_ =	shalt  }
0x7f: {  	_ =	shalt  }
0x80: {  	_ =	shalt  }
0x81: {  	_ =	shalt  }
0x82: {  	_ =	shalt  }
0x83: {  	_ =	shalt  }
0x84: {  	_ =	shalt  }
0x85: {  	_ =	shalt  }
0x86: {  	_ =	shalt  }
0x87: {  	_ =	shalt  }
.Lfunc_end0:
.L_simem_size_0:
called_computation_lowered:
.L_overlay_start_0:
0x88: {  	s2 =	sld [smem:$0x3FD9]  }
0x89: {  	s3 =	sld [smem:$0x3FFE];
	_ =	sdelay $0x1  }
0x8a: {  	s1 =	srdreg.scid  }
0x8b: {  	s0 =	sand.u32 $0x1, s1  }
0x8c: {  	s18 =	sshll.u32 s0, $0xA;
	s2 =	sadd.s32 s3, s2  }
0x8d: {  	s2 =	sadd.s32 s2, s18  }
0x8e: {  	[smem:$0x3FC7] =	sst s2  }
0x8f: {  	_ = 	snop  }
0x90: {  	s2 =	sld [smem:$0x3FC9]  }
0x91: {  	s19 =	sld [smem:$0x3FD0];
	(tm) =	ssettm $0x1  }
0x92: {  	s4 =	sld [smem:$0x3FFB];
	_ =	sdelay $0x3  }
0x93: {  	_ =	strace s4  }
0x94: {  	s4 =	sld [smem:$0x3FFC];
	_ =	sdelay $0x3  }
0x95: {  	_ =	strace s4  }
0x96: {  	s4 =	sld [smem:$0x3FFD];
	_ =	sdelay $0x3  }
0x97: {  	_ =	strace s4  }
0x98: {  	_ =	strace $0x8FFFFFFF  }
0x99: {  	s20 =	sld [smem:$0x3FDB];
	_ =	sdelay $0x1  }
0x9a: {  	s5 =	simm.s32 $_scs_section_size  }
0x9b: {  	s6 =	simm.s32 $_size__tile_overlayer_lowered;
	s7 =	simm.s32 $_tile_overlayer_lowered  }
0x9c: {  	s23 =	simm.s32 $0x1BFF;
	s22 =	sshll.u32 s7, $0x1;
	s4 =	sadd.s32 s5, s20  }
0x9d: {  	s8 =	simm.s32 $0x0;
	s21 =	sshll.u32 s6, $0x1;
	s6 =	sadd.s32 s22, s4  }
0x9e: {  	[timem:s8], [sflag:s23] =	dma.local [hbm:s6], s21  }
0x9f: {  	_ =	swait.ge [sflag:s23], s21  }
0xa0: {  	s5 =	ssub.s32 $0x0, s21;
	[sflag:s23] =	ssyncset.done $0x0  }
0xa1: {  	[sflag:s23] =	ssyncadd.s32 s5;
	_ =	sdelay $0x1  }
0xa2: {  	s24 =	simm.s32 $0x1B8B  }
0xa3: {  	_ =	swait.ge [sflag:s24], $0x1  }
0xa4: {  	[sflag:s24] =	ssyncset.done $0x0  }
0xa5: {  	s25 =	simm.s32 $0x1B8E;
	[sflag:s24] =	ssyncadd.s32 $0xFFFFFFFF  }
0xa6: {  	s26 =	simm.s32 $execute0_lowered;
	[smem:$0x3FD2] =	sst s25  }
0xa7: {  	s5 =	sshll.u32 s26, $0x1;
	_ =	strace $0x80000046;
	[dreg:$0x1] =	wrdreg $0xFFFFFFFF  }
0xa8: {  	s28 =	simm.s32 $_size_execute0_lowered;
	s4 =	sadd.s32 s4, s5;
	[dreg:$0x0] =	wrdreg $0x0  }
0xa9: {  	s5 =	sshll.u32 s28, $0x1;
	[dreg:$0x2] =	wrdreg s4  }
0xaa: {  	[dreg:$0x3] =	wrdreg s5  }
0xab: {  	[dreg:$0x4] =	wrdreg $0xC0  }
0xac: {  	_ =	task [dreg:s8], $0x5FFFF  }
0xad: {  	[dreg:$0x1] =	wrdreg $0xFFFFFFFF  }
0xae: {  	[dreg:$0x0] =	wrdreg $0x60  }
0xaf: {  	[dreg:$0x2] =	wrdreg s2  }
0xb0: {  	[dreg:$0x3] =	wrdreg s19  }
0xb1: {  	[dreg:$0x4] =	wrdreg $0x9  }
0xb2: {  	_ =	task.clear_ibuf [dreg:s8], $0x5FFFF;
	_ =	strace $0x90000046  }
0xb3: {  	s29 =	simm.s32 $0x9;
	_ =	strace $0x80000048  }
0xb4: {  	_ =	swait.ge [sflag:s29], $0x1  }
0xb5: {  	[sflag:s29] =	ssyncadd.s32 $0xFFFFFFFF  }
0xb6: {  	_ =	strace $0x90000048  }
0xb7: {  	_ =	sfence  }
0xb8: {  	s30 =	sld [smem:$0x0];
	_ =	sdelay $0x2  }
0xb9: {  	s31 =	sshll.u32 s1, $0xD;
	s1 =	sshrl.u32 s1, $0x2  }
0xba: {  	s3 =	sand.u32 $0x4000, s31;
	s1 =	sadd.s32 s1, s30  }
0xbb: {  	s0 =	sor.u32 s3, s0;
	s1 =	sshll.u32 s1, $0x11  }
0xbc: {  	s0 =	sor.u32 s1, s0  }
0xbd: {  	s0 =	sadd.s32 $0x8F2B, s0  }
0xbe: {  	[sflag:s0] =	ssyncadd.remote.s32 $0x1  }
0xbf: {  	_ =	sfence.sel $0xFFFF  }
0xc0: {  	[dreg:$0x0] =	wrdreg $0xFFFFFFFF;
	(pc) =	sbr.abs _section_cstart, $3  }
0xc1: {  	[dreg:$0x1] =	wrdreg $0xFFFFFFFF  }
0xc2: {  	_ =	task.clear_ibuf [dreg:s8], $0x2FFFF;
	_ =	strace $0x9FFFFFFF  }
0xc3: {  	(tm) =	ssettm $0x7FFFFFFF  }
tec
execute0_lowered:
.L_overlay_start_1:
0x0: {  	(tag) =	ssettag $0x1  }
0x1: {  	s2 =	rddreg [dreg:$0x0]  }
0x2: {  	s3 =	rddreg [dreg:$0x1]  }
0x3: {  	s0 =	srdreg.scid;
	s1 =	stileid.u32;
	s4 =	simm.s32 $0x0  }
0x4: {  	s11 =	simm.s32 $0x2;
	s0 =	sand.u32 $0x1, s0;
	s5 =	sshll.u32 s1, $0x1  }
0x5: {  	s12 =	simm.s32 $0x9600;
	s13 =	simm.s32 $0x0;
	s5 =	sor.u32 s0, s5  }
0x6: {  	[smem:$0x7FF] =	sst s4;
	s8 =	sadd.s32 $0x79E00, s3;
	s7 =	smul.u32 $0x320, s5  }
.Ltmp0:
0x7: {  	s9 =	sadd.s32 $0x1E780, s2;
	s6 =	ssub.s32 $0x2, s0;
	(pc) =	sbr.rel .LBB2_1-.Ltmp0, $4  }
0x8: {  	_ =	strace $0x80000047;
	s30 =	sshrl.u32 s6, $0x1;
	p0 =	slt.u32 s5, $0x1D  }
0x9: {  	s0 =	ssub.s32 s6, s30;
	p2 =	seq.s32 @p0 s5, $0x1C;
	s31 =	sadd.s32 s2, s7  }
0xa: {  	s7 =	sor.u32 $0x20, s5;
	s0 =	smax.u32 s0, $0x1;
	[dreg:$0x3] =	wrdreg s31  }
0xb: {  	v0 =	vimm.f32 $0.0e+00;
	p1 =	por !p2, !p0;
	p2 =	por p2, !p0;
	[dreg:$0x4] =	wrdreg s0  }
.LBB2_12:
0xc: {  	s0 =	simm.s32 @p0 $0x4  }
0xd: {  	_ =	swait.ge @p0 [sflag:s0], $0x6400  }
0xe: {  	[sflag:s0] =	ssyncset.done @p0 $0x0  }
0xf: {  	[sflag:s0] =	ssyncadd.s32 @p0 $0xFFFF9C00;
	s0 =	simm.s32 @!p1 $0x3  }
0x10: {  	_ =	swait.ge @!p1 [sflag:s0], $0x1800  }
0x11: {  	[sflag:s0] =	ssyncset.done @!p1 $0x0  }
0x12: {  	[sflag:s0] =	ssyncadd.s32 @!p1 $0xFFFFE800;
	s0 =	simm.s32 @!p2 $0x3  }
0x13: {  	_ =	swait.ge @!p2 [sflag:s0], $0x6400  }
0x14: {  	[sflag:s0] =	ssyncset.done @!p2 $0x0  }
0x15: {  	[sflag:s0] =	ssyncadd.s32 @!p2 $0xFFFF9C00;
	s0 =	simm.s32 @!p0 $0x3  }
0x16: {  	_ =	swait.ge @!p0 [sflag:s0], $0x6400  }
0x17: {  	[sflag:s0] =	ssyncset.done @!p0 $0x0  }
0x18: {  	[sflag:s0] =	ssyncadd.s32 @!p0 $0xFFFF9C00;
	s0 =	simm.s32 @!p0 $0x4  }
0x19: {  	_ =	swait.ge @!p0 [sflag:s0], $0x6400  }
0x1a: {  	s13 =	sadd.s32 $0x1, s13;
	s1 =	rddreg [dreg:$0x4]  }
0x1b: {  	p3 =	sne.s32 s13, s1  }
.Ltmp1:
0x1c: {  	_ = 	snop;
	(pc) =	sbr.rel @!p3 .LBB2_13-.Ltmp1, $3  }
0x1d: {  	_ =	sdelay $0x1  }
0x1e: {  	[sflag:s0] =	ssyncset.done @!p0 $0x0  }
0x1f: {  	[sflag:s0] =	ssyncadd.s32 @!p0 $0xFFFF9C00  }
.LBB2_1:
.Ltmp2:
0x20: {  	(pc) =	sbr.rel .LBB2_2-.Ltmp2, $3  }
0x21: {  	_ =	sdelay $0x1  }
0x22: {  	s0 =	rddreg [dreg:$0x3];
	s14 =	simm.s32 $0x0  }
0x23: {  	[tilespmem:s4], [sflag:$0x1] =	stream.linear.gather [hbm4b:s0+s4], $0x1900, $0x38;
	[tilespmem:$0xFA00] =	vst v63  }
.LBB2_6:
0x24: {  	[tilespmem:s21+$0x0] =	vst v4  }
0x25: {  	[tilespmem:s21+$0x80] =	vst v6  }
0x26: {  	v59 =	vsel vm1, $0x3F800000, v8;
	[tilespmem:s20+$0x3200] =	vst v5  }
0x27: {  	vm8 =	veq.s32 v1, $0x0;
	[tilespmem:s23+$0x0] =	vst v59  }
0x28: {  	v61 =	vsel vm8, $0x3F800000, v7;
	[tilespmem:s19+$0x3200] =	vst v2  }
0x29: {  	v2 =	vsel vm0, $0x3F800000, v8;
	[tilespmem:s30+$0x0] =	vst v61  }
0x2a: {  	v60 =	vsel vm4, $0x3F800000, v8;
	[tilespmem:s23+$0x80] =	vst v2  }
0x2b: {  	vm9 =	veq.s32 v1, $0x1;
	v2 =	vsel vm2, $0x3F800000, v8;
	[tilespmem:s28+$0x3200] =	vst v60  }
0x2c: {  	vm10 =	veq.s32 v1, $0x2;
	[tilespmem:s26+$0x3200] =	vst v2;
	v2 =	vsel vm9, $0x3F800000, v7  }
0x2d: {  	vm11 =	veq.s32 v1, $0x3;
	v1 =	vsel vm10, $0x3F800000, v7;
	[tilespmem:s30+$0x80] =	vst v2  }
0x2e: {  	vm12 =	veq.s32 v3, $0x0;
	v62 =	vsel vm11, $0x3F800000, v7;
	v2 =	vsel vm3, $0x3E800000, v0;
	[tilespmem:s24+$0x3200] =	vst v1  }
0x2f: {  	s0 =	sor.u32 s16, s25;
	vm13 =	veq.s32 v3, $0x1;
	v1 =	vsel vm12, $0x3F800000, v2;
	[tilespmem:s22+$0x3200] =	vst v62  }
0x30: {  	vm14 =	veq.s32 v3, $0x2;
	v63 =	vsel vm13, $0x3F800000, v2;
	[tilespmem:s0+$0x0] =	vst v1  }
0x31: {  	vm15 =	veq.s32 v3, $0x3;
	v1 =	vsel vm14, $0x3F800000, v2;
	[tilespmem:s0+$0x80] =	vst v63  }
0x32: {  	v2 =	vsel vm15, $0x3F800000, v2;
	[tilespmem:s31+$0x3200] =	vst v1  }
0x33: {  	s1 =	simm.s32 @p3 $0x3200;
	s6 =	smul.u32 @!p3 $0xC80, s15;
	s0 =	simm.s32 @p3 $0x0;
	[tilespmem:s29+$0x3200] =	vst v2  }
0x34: {  	[hbm4b:s8+s0] =	stream.linear.scatter @p3 [tilespmem:s1], [sflag:$0x3], $0x1800, $0x38;
	[tilespmem:$0xFA00] =	vst v63  }
0x35: {  	s0 =	sadd.s32 @!p3 s3, s6;
	s1 =	simm.s32 @!p3 $0x0;
	s6 =	simm.s32 @!p3 $0x3200  }
0x36: {  	[hbm4b:s0+s1] =	stream.linear.scatter @!p3 [tilespmem:s6], [sflag:$0x3], $0x6400, $0x38;
	[tilespmem:$0xFA00] =	vst v63  }
.LBB2_11:
0x37: {  	s14 =	sadd.s32 $0x1, s14  }
0x38: {  	p3 =	sne.s32 s14, $0x5  }
.Ltmp3:
0x39: {  	_ = 	snop;
	(pc) =	sbr.rel @!p3 .LBB2_12-.Ltmp3, $1  }
0x3a: {  	_ =	sdelay $0x3  }
.LBB2_2:
0x3b: {  	s0 =	sand.u32 $0x1, s14  }
0x3c: {  	p3 =	seq.s32 s0, $0x1  }
.Ltmp4:
0x3d: {  	_ = 	snop;
	(pc) =	sbr.rel @!p3 .LBB2_3-.Ltmp4, $2  }
0x3e: {  	_ =	sdelay $0x2  }
0x3f: {  	s0 =	sshll.u32 s14, $0x5  }
0x40: {  	s1 =	sadd.s32 s7, s0  }
0x41: {  	p3 =	sgt.u32 s1, $0x9B  }
0x42: {  	p4 =	sne.s32 @p3 s1, $0x9C  }
0x43: {  	p4 =	por p4, !p3  }
0x44: {  	s1 =	smul.u32 @!p3 $0x320, s1;
	s6 =	simm.s32 @!p4 $0x0  }
0x45: {  	[tilespmem:s6], [sflag:$0x1] =	stream.linear.gather @!p4 [hbm4b:s9+s6], $0x600, $0x38;
	[tilespmem:$0xFA00] =	vst v63  }
0x46: {  	s15 =	sor.u32 s5, s0;
	s1 =	sadd.s32 @!p3 s2, s1;
	s6 =	simm.s32 @!p3 $0x0  }
0x47: {  	[tilespmem:s6], [sflag:$0x1] =	stream.linear.gather @!p3 [hbm4b:s1+s6], $0x1900, $0x38;
	[tilespmem:$0xFA00] =	vst v63  }
0x48: {  	p3 =	sgt.u32 s15, $0x9C  }
.Ltmp5:
0x49: {  	_ = 	snop;
	(pc) =	sbr.rel @p3 .LBB2_11-.Ltmp5, $1  }
0x4a: {  	_ =	sdelay $0x3  }
0x4b: {  	_ =	swait.ge [sflag:s11], $0x1900  }
0x4c: {  	p3 =	slt.u32 s14, $0x2;
	[sflag:s11] =	ssyncset.done $0x0  }
0x4d: {  	s1 =	simm.s32 $0x0;
	s0 =	simm.s32 @!p3 $0x4;
	[sflag:s11] =	ssyncadd.s32 $0xFFFFE700  }
0x4e: {  	s21 =	sand.u32 $0x40, s1;
	s1 =	sand.u32 $0x1F80, s1;
	_ =	swait.ge @!p3 [sflag:s0], $0x6400  }
0x4f: {  	s1 =	sadd.s32 $0x1900, s1;
	s6 =	sor.u32 $0x30, s21;
	[sflag:s0] =	ssyncset.done @!p3 $0x0  }
0x50: {  	s10 =	sor.u32 s6, s1;
	[sflag:s0] =	ssyncadd.s32 @!p3 $0xFFFF9C00  }
0x51: {  	s25 =	simm.s32 $0x0;
	s0 =	sor.u32 $0x10, s21;
	v1 =	vld [tilespmem:s10+$0x0]  }
0x52: {  	s18 =	sor.u32 $0x20, s21;
	s16 =	sor.u32 s0, s1;
	v4 =	vld [tilespmem:s25+$0x1900]  }
0x53: {  	s1 =	sor.u32 s18, s1;
	v2 =	vld [tilespmem:s16+$0x0]  }
0x54: {  	v3 =	vld [tilespmem:s1+$0x0];
	_ =	sdelay $0x2  }
0x55: {  	s26 =	simm.s32 $0x0;
	p3 =	por $0x0, $0x0;
	s16 =	simm.s32 $0x1;
	vm0 =	veq.s32 v1, $0x4;
	vm5 =	veq.s32 v4, $0x4;
	vm8 =	veq.s32 v4, $0x3  }
0x56: {  	s17 =	sand.u32 $0x7E00, s26;
	s16 =	simm.s32 @!p3 $0x0;
	vm1 =	veq.s32 v2, $0x4;
	v5 =	vsel vm0, $0x3E800000, v0;
	vm0 =	veq.s32 v1, $0x0  }
0x57: {  	s22 =	sadd.s32 $0x9600, s17;
	s19 =	sshll.u32 s16, $0x6;
	vm2 =	veq.s32 v3, $0x4;
	vm3 =	veq.s32 v2, $0x0;
	vm4 =	veq.s32 v2, $0x1  }
0x58: {  	s17 =	simm.s32 $0x40;
	s6 =	sor.u32 s6, s22;
	s1 =	sadd.s32 $0x0, s19;
	vm6 =	veq.s32 v2, $0x2;
	v6 =	vsel vm0, $0x3F800000, v5;
	vm0 =	veq.s32 v1, $0x1  }
0x59: {  	s16 =	sand.u32 $0x40, s17;
	s19 =	sand.u32 $0x1F80, s17;
	s10 =	sadd.s32 $0x30, s1;
	vm7 =	veq.s32 v2, $0x3;
	v8 =	vsel vm0, $0x3F800000, v5;
	vm0 =	veq.s32 v1, $0x2;
	[tilespmem:s6+$0x0] =	vst v6  }
0x5a: {  	s24 =	sor.u32 $0x30, s16;
	s20 =	sor.u32 $0x100, s10;
	s23 =	sor.u32 $0x180, s10;
	v2 =	vsel vm5, $0x3E800000, v0;
	v6 =	vsel vm0, $0x3F800000, v5;
	vm0 =	veq.s32 v1, $0x3;
	[tilespmem:s6+$0x80] =	vst v8  }
0x5b: {  	s10 =	sadd.s32 $0x1900, s19;
	s19 =	sor.u32 s0, s22;
	vm5 =	veq.s32 v4, $0x1;
	v7 =	vsel vm1, $0x3E800000, v0;
	s6 =	sor.u32 $0x10, s16;
	v1 =	vsel vm0, $0x3F800000, v5;
	[tilespmem:s20+$0x9600] =	vst v6  }
0x5c: {  	s0 =	sor.u32 $0x20, s16;
	v9 =	vsel vm2, $0x3E800000, v0;
	vm2 =	veq.s32 v3, $0x1;
	s20 =	sor.u32 s24, s10;
	s25 =	sor.u32 s6, s10;
	v5 =	vsel vm4, $0x3F800000, v7;
	[tilespmem:s23+$0x9600] =	vst v1  }
0x5d: {  	vm1 =	veq.s32 v3, $0x2;
	vm0 =	veq.s32 v3, $0x0;
	s10 =	sor.u32 s0, s10;
	v1 =	vsel vm3, $0x3F800000, v7;
	s23 =	sadd.s32 $0x10, s1;
	v10 =	vld [tilespmem:s20+$0x0];
	s20 =	sadd.s32 $0x20, s1;
	[tilespmem:s19+$0x80] =	vst v5  }
0x5e: {  	vm4 =	veq.s32 v3, $0x3;
	v3 =	vsel vm6, $0x3F800000, v7;
	vm6 =	veq.s32 v4, $0x2;
	v11 =	vld [tilespmem:s25+$0x0];
	[tilespmem:s19+$0x0] =	vst v1;
	s26 =	sor.u32 $0x100, s23;
	s28 =	sor.u32 $0x100, s20;
	s29 =	sor.u32 $0x180, s20  }
0x5f: {  	vm3 =	veq.s32 v4, $0x0;
	v4 =	vsel vm7, $0x3F800000, v7;
	v7 =	vsel vm2, $0x3F800000, v9;
	s20 =	sor.u32 $0x100, s1;
	s19 =	sor.u32 $0x180, s1;
	s1 =	sor.u32 s18, s22;
	[tilespmem:s26+$0x9600] =	vst v3  }
0x60: {  	v8 =	vsel vm1, $0x3F800000, v9;
	v6 =	vsel vm5, $0x3F800000, v2;
	s23 =	sor.u32 $0x180, s23;
	v1 =	vld [tilespmem:s10+$0x0];
	[tilespmem:s1+$0x80] =	vst v7  }
0x61: {  	p3 =	por !p3, !p3;
	v5 =	vsel vm3, $0x3F800000, v2;
	s18 =	simm.s32 $0x100;
	s10 =	simm.s32 $0x1;
	v3 =	vsel vm0, $0x3F800000, v9;
	v9 =	vsel vm4, $0x3F800000, v9;
	[tilespmem:s23+$0x9600] =	vst v4  }
0x62: {  	s25 =	simm.s32 $0x40;
	s10 =	simm.s32 @!p3 $0x0;
	s26 =	sand.u32 $0x7E00, s18;
	[tilespmem:s1+$0x0] =	vst v3;
	v4 =	vsel vm6, $0x3F800000, v2;
	v2 =	vsel vm8, $0x3F800000, v2;
	vm0 =	veq.s32 v10, $0x4  }
0x63: {  	s21 =	sor.u32 s21, s22;
	s22 =	sshll.u32 s10, $0x6;
	v3 =	vld [tilespmem:s25+$0x1900];
	s25 =	sadd.s32 $0x9600, s26;
	[tilespmem:s28+$0x9600] =	vst v8;
	vm1 =	veq.s32 v11, $0x4;
	v12 =	vsel vm0, $0x3E800000, v0;
	vm0 =	veq.s32 v10, $0x0  }
0x64: {  	s1 =	sadd.s32 $0x100, s22;
	s23 =	sor.u32 s6, s25;
	s24 =	sor.u32 s24, s25;
	[tilespmem:s29+$0x9600] =	vst v9;
	vm4 =	veq.s32 v11, $0x2;
	v7 =	vsel vm0, $0x3F800000, v12;
	vm0 =	veq.s32 v10, $0x1  }
0x65: {  	s30 =	sor.u32 s0, s25;
	s26 =	sadd.s32 $0x10, s1;
	s29 =	sadd.s32 $0x30, s1;
	vm2 =	veq.s32 v1, $0x4;
	[tilespmem:s24+$0x0] =	vst v7;
	v9 =	vsel vm0, $0x3F800000, v12;
	vm0 =	veq.s32 v10, $0x2  }
0x66: {  	s22 =	sadd.s32 $0x20, s1;
	s31 =	sor.u32 $0x100, s1;
	s10 =	sor.u32 $0x100, s29;
	v7 =	vsel vm2, $0x3E800000, v0;
	vm2 =	veq.s32 v10, $0x3;
	[tilespmem:s24+$0x80] =	vst v9;
	v9 =	vsel vm0, $0x3F800000, v12  }
0x67: {  	v8 =	vsel vm1, $0x3E800000, v0;
	s28 =	sor.u32 $0x100, s26;
	s26 =	sor.u32 $0x180, s26;
	vm1 =	veq.s32 v11, $0x0;
	[tilespmem:s10+$0x9600] =	vst v9;
	v9 =	vsel vm2, $0x3F800000, v12;
	s10 =	sor.u32 $0x180, s29  }
0x68: {  	vm3 =	veq.s32 v3, $0x4;
	vm0 =	veq.s32 v11, $0x1;
	s24 =	sor.u32 $0x100, s22;
	s22 =	sor.u32 $0x180, s22;
	s29 =	sor.u32 $0x180, s1;
	vm2 =	veq.s32 v11, $0x3;
	[tilespmem:s10+$0x9600] =	vst v9  }
.LBB2_9:
0x69: {  	s17 =	sadd.s32 $0x40, s17;
	s0 =	sor.u32 s16, s25;
	vm6 =	veq.s32 v1, $0x0;
	vm7 =	veq.s32 v1, $0x1;
	vm5 =	veq.s32 v1, $0x2;
	[tilespmem:s21+$0x0] =	vst v5  }
0x6a: {  	v9 =	vsel vm3, $0x3E800000, v0;
	vm8 =	veq.s32 v3, $0x0;
	vm3 =	veq.s32 v1, $0x3;
	s16 =	sand.u32 $0x40, s17;
	s1 =	sand.u32 $0x1F80, s17;
	[tilespmem:s21+$0x80] =	vst v6;
	s21 =	smov.u32 s0  }
0x6b: {  	vm9 =	veq.s32 v3, $0x1;
	vm10 =	veq.s32 v3, $0x2;
	vm11 =	veq.s32 v3, $0x3;
	s6 =	sor.u32 $0x10, s16;
	s1 =	sadd.s32 $0x1900, s1;
	s10 =	sor.u32 $0x30, s16;
	[tilespmem:s20+$0x9600] =	vst v4  }
0x6c: {  	v1 =	vsel vm1, $0x3F800000, v8;
	v3 =	vsel vm0, $0x3F800000, v8;
	v10 =	vsel vm4, $0x3F800000, v8;
	s0 =	sor.u32 $0x20, s16;
	s25 =	sor.u32 s6, s1;
	s20 =	sor.u32 s10, s1;
	[tilespmem:s19+$0x9600] =	vst v2  }
0x6d: {  	v8 =	vsel vm2, $0x3F800000, v8;
	p4 =	slt.u32 s17, $0x18C0;
	v12 =	vsel vm6, $0x3F800000, v7;
	v13 =	vsel vm7, $0x3F800000, v7;
	s1 =	sor.u32 s0, s1;
	v11 =	vld [tilespmem:s20+$0x0];
	[tilespmem:s23+$0x0] =	vst v1;
	s20 =	smov.u32 s31  }
0x6e: {  	v5 =	vsel vm8, $0x3F800000, v9;
	v15 =	vsel vm5, $0x3F800000, v7;
	v7 =	vsel vm3, $0x3F800000, v7;
	s19 =	smov.u32 s29;
	v14 =	vld [tilespmem:s25+$0x0];
	[tilespmem:s23+$0x80] =	vst v3  }
0x6f: {  	v6 =	vsel vm9, $0x3F800000, v9;
	v4 =	vsel vm10, $0x3F800000, v9;
	v2 =	vsel vm11, $0x3F800000, v9;
	v1 =	vld [tilespmem:s1+$0x0];
	[tilespmem:s28+$0x9600] =	vst v10  }
0x70: {  	p3 =	por !p3, !p3;
	s1 =	simm.s32 $0x1;
	[tilespmem:s26+$0x9600] =	vst v8  }
0x71: {  	s18 =	sadd.s32 $0x100, s18;
	s1 =	simm.s32 @!p3 $0x0;
	[tilespmem:s30+$0x0] =	vst v12  }
0x72: {  	s23 =	sshra.s32 s18, $0x2;
	s25 =	sand.u32 $0x7E00, s18;
	s1 =	sshll.u32 s1, $0x6;
	vm0 =	veq.s32 v11, $0x4;
	[tilespmem:s30+$0x80] =	vst v13  }
0x73: {  	s25 =	sadd.s32 $0x9600, s25;
	s1 =	sadd.s32 s1, s18;
	v3 =	vld [tilespmem:s23+$0x1900];
	vm1 =	veq.s32 v14, $0x4;
	v9 =	vsel vm0, $0x3E800000, v0;
	vm0 =	veq.s32 v11, $0x0;
	[tilespmem:s24+$0x9600] =	vst v15  }
.Ltmp6:
0x74: {  	s23 =	sor.u32 s6, s25;
	s6 =	sor.u32 s10, s25;
	vm2 =	veq.s32 v1, $0x4;
	v10 =	vsel vm0, $0x3F800000, v9;
	vm0 =	veq.s32 v11, $0x1;
	[tilespmem:s22+$0x9600] =	vst v7;
	(pc) =	sbr.rel @p4 .LBB2_9-.Ltmp6, $4  }
0x75: {  	s10 =	sadd.s32 $0x10, s1;
	s29 =	sadd.s32 $0x30, s1;
	v8 =	vsel vm1, $0x3E800000, v0;
	s22 =	sadd.s32 $0x20, s1;
	[tilespmem:s6+$0x0] =	vst v10;
	v10 =	vsel vm0, $0x3F800000, v9;
	vm0 =	veq.s32 v11, $0x2  }
0x76: {  	s28 =	sor.u32 $0x100, s10;
	s26 =	sor.u32 $0x180, s10;
	v7 =	vsel vm2, $0x3E800000, v0;
	vm2 =	veq.s32 v11, $0x3;
	[tilespmem:s6+$0x80] =	vst v10;
	v10 =	vsel vm0, $0x3F800000, v9;
	s6 =	sor.u32 $0x100, s29  }
0x77: {  	vm1 =	veq.s32 v14, $0x0;
	s24 =	sor.u32 $0x100, s22;
	s22 =	sor.u32 $0x180, s22;
	vm0 =	veq.s32 v14, $0x1;
	v9 =	vsel vm2, $0x3F800000, v9;
	[tilespmem:s6+$0x9600] =	vst v10;
	s6 =	sor.u32 $0x180, s29  }
0x78: {  	s30 =	sor.u32 s0, s25;
	s31 =	sor.u32 $0x100, s1;
	vm4 =	veq.s32 v14, $0x2;
	vm2 =	veq.s32 v14, $0x3;
	s29 =	sor.u32 $0x180, s1;
	vm3 =	veq.s32 v3, $0x4;
	[tilespmem:s6+$0x9600] =	vst v9  }
0x79: {  	[tilespmem:s21+$0x0] =	vst v5  }
0x7a: {  	[tilespmem:s21+$0x80] =	vst v6  }
0x7b: {  	v59 =	vsel vm1, $0x3F800000, v8;
	[tilespmem:s20+$0x9600] =	vst v4  }
0x7c: {  	vm8 =	veq.s32 v1, $0x0;
	[tilespmem:s23+$0x0] =	vst v59  }
0x7d: {  	v61 =	vsel vm8, $0x3F800000, v7;
	[tilespmem:s19+$0x9600] =	vst v2  }
0x7e: {  	v2 =	vsel vm0, $0x3F800000, v8;
	[tilespmem:s30+$0x0] =	vst v61  }
0x7f: {  	v60 =	vsel vm4, $0x3F800000, v8;
	[tilespmem:s23+$0x80] =	vst v2  }
0x80: {  	vm9 =	veq.s32 v1, $0x1;
	v2 =	vsel vm2, $0x3F800000, v8;
	[tilespmem:s28+$0x9600] =	vst v60  }
0x81: {  	vm10 =	veq.s32 v1, $0x2;
	[tilespmem:s26+$0x9600] =	vst v2;
	v2 =	vsel vm9, $0x3F800000, v7  }
0x82: {  	vm11 =	veq.s32 v1, $0x3;
	v1 =	vsel vm10, $0x3F800000, v7;
	[tilespmem:s30+$0x80] =	vst v2  }
0x83: {  	vm12 =	veq.s32 v3, $0x0;
	v62 =	vsel vm11, $0x3F800000, v7;
	v2 =	vsel vm3, $0x3E800000, v0;
	[tilespmem:s24+$0x9600] =	vst v1  }
0x84: {  	s0 =	sor.u32 s16, s25;
	vm13 =	veq.s32 v3, $0x1;
	v1 =	vsel vm12, $0x3F800000, v2;
	[tilespmem:s22+$0x9600] =	vst v62  }
.Ltmp7:
0x85: {  	vm14 =	veq.s32 v3, $0x2;
	v63 =	vsel vm13, $0x3F800000, v2;
	[tilespmem:s0+$0x0] =	vst v1;
	(pc) =	sbr.rel .LBB2_11-.Ltmp7, $4  }
0x86: {  	vm15 =	veq.s32 v3, $0x3;
	s30 =	smul.u32 $0xC80, s15;
	v1 =	vsel vm14, $0x3F800000, v2;
	[tilespmem:s0+$0x80] =	vst v63  }
0x87: {  	v2 =	vsel vm15, $0x3F800000, v2;
	[tilespmem:s31+$0x9600] =	vst v1  }
0x88: {  	s0 =	sadd.s32 s3, s30;
	[tilespmem:s29+$0x9600] =	vst v2  }
0x89: {  	[hbm4b:s0+s4] =	stream.linear.scatter [tilespmem:s12], [sflag:$0x4], $0x6400, $0x38;
	[tilespmem:$0xFA00] =	vst v63  }
.LBB2_3:
0x8a: {  	s15 =	sor.u32 s0, s5  }
0x8b: {  	s0 =	sor.u32 $0x20, s15  }
0x8c: {  	p3 =	sgt.u32 s0, $0x9B  }
0x8d: {  	s0 =	smul.u32 @!p3 $0x320, s0;
	_ =	sdelay $0x1  }
0x8e: {  	s16 =	simm.s32 @!p3 $0x0;
	s17 =	simm.s32 @!p3 $0x1900;
	s0 =	sadd.s32 @!p3 s2, s0  }
0x8f: {  	[tilespmem:s17], [sflag:$0x2] =	stream.linear.gather @!p3 [hbm4b:s0+s16], $0x1900, $0x38;
	[tilespmem:$0xFA00] =	vst v63  }
0x90: {  	p3 =	sgt.u32 s15, $0x9C  }
.Ltmp8:
0x91: {  	_ = 	snop;
	(pc) =	sbr.rel @p3 .LBB2_11-.Ltmp8, $1  }
0x92: {  	_ =	sdelay $0x3  }
0x93: {  	p3 =	seq.s32 s15, $0x9C  }
0x94: {  	s0 =	simm.s32 @p3 $0x1  }
0x95: {  	_ =	swait.ge @p3 [sflag:s0], $0x600  }
0x96: {  	[sflag:s0] =	ssyncset.done @p3 $0x0  }
0x97: {  	[sflag:s0] =	ssyncadd.s32 @p3 $0xFFFFFA00;
	s0 =	simm.s32 @!p3 $0x1  }
0x98: {  	_ =	swait.ge @!p3 [sflag:s0], $0x1900  }
0x99: {  	p4 =	slt.u32 s14, $0x2;
	[sflag:s0] =	ssyncset.done @!p3 $0x0  }
0x9a: {  	s16 =	simm.s32 $0x0;
	[sflag:s0] =	ssyncadd.s32 @!p3 $0xFFFFE700;
	s0 =	simm.s32 @!p4 $0x3  }
0x9b: {  	s21 =	sand.u32 $0x40, s16;
	_ =	swait.ge @!p4 [sflag:s0], $0x6400  }
0x9c: {  	s16 =	sand.u32 $0x1F80, s16;
	s17 =	sor.u32 $0x30, s21;
	[sflag:s0] =	ssyncset.done @!p4 $0x0  }
0x9d: {  	s10 =	sor.u32 $0x10, s21;
	s19 =	sor.u32 s17, s16;
	[sflag:s0] =	ssyncadd.s32 @!p4 $0xFFFF9C00  }
0x9e: {  	s18 =	sor.u32 $0x20, s21;
	s20 =	sor.u32 s10, s16;
	v1 =	vld [tilespmem:s19+$0x0]  }
0x9f: {  	s16 =	sor.u32 s18, s16;
	v2 =	vld [tilespmem:s20+$0x0]  }
0xa0: {  	s23 =	simm.s32 $0x0;
	v3 =	vld [tilespmem:s16+$0x0]  }
0xa1: {  	v4 =	vld [tilespmem:s23+$0x0];
	_ =	sdelay $0x2  }
0xa2: {  	s24 =	simm.s32 $0x0;
	p4 =	por $0x0, $0x0;
	s20 =	simm.s32 $0x1;
	vm0 =	veq.s32 v1, $0x4;
	vm1 =	veq.s32 v2, $0x4  }
0xa3: {  	s25 =	sand.u32 $0x7E00, s24;
	s20 =	simm.s32 @!p4 $0x0;
	vm2 =	veq.s32 v3, $0x4;
	vm3 =	veq.s32 v2, $0x0;
	vm4 =	veq.s32 v2, $0x1  }
0xa4: {  	s22 =	sadd.s32 $0x3200, s25;
	s26 =	sshll.u32 s20, $0x6;
	vm5 =	veq.s32 v4, $0x4;
	v5 =	vsel vm0, $0x3E800000, v0;
	vm0 =	veq.s32 v1, $0x0  }
0xa5: {  	s16 =	sor.u32 s17, s22;
	s19 =	sadd.s32 $0x0, s26;
	vm6 =	veq.s32 v2, $0x2;
	v6 =	vsel vm0, $0x3F800000, v5;
	vm0 =	veq.s32 v1, $0x1  }
0xa6: {  	s17 =	simm.s32 $0x40;
	s1 =	sadd.s32 $0x30, s19;
	vm7 =	veq.s32 v2, $0x3;
	v8 =	vsel vm0, $0x3F800000, v5;
	vm0 =	veq.s32 v1, $0x2;
	[tilespmem:s16+$0x0] =	vst v6  }
0xa7: {  	s23 =	sor.u32 $0x100, s1;
	vm8 =	veq.s32 v4, $0x3;
	v6 =	vsel vm0, $0x3F800000, v5;
	vm0 =	veq.s32 v1, $0x3;
	[tilespmem:s16+$0x80] =	vst v8;
	s16 =	sand.u32 $0x40, s17  }
0xa8: {  	s6 =	sand.u32 $0x1F80, s17;
	s20 =	sor.u32 $0x180, s1;
	v7 =	vsel vm1, $0x3E800000, v0;
	v9 =	vsel vm2, $0x3E800000, v0;
	v1 =	vsel vm0, $0x3F800000, v5;
	[tilespmem:s23+$0x3200] =	vst v6;
	s24 =	sor.u32 $0x30, s16  }
0xa9: {  	s25 =	sor.u32 s10, s22;
	vm2 =	veq.s32 v3, $0x1;
	vm1 =	veq.s32 v3, $0x2;
	s26 =	sor.u32 $0x10, s16;
	v5 =	vsel vm4, $0x3F800000, v7;
	[tilespmem:s20+$0x3200] =	vst v1;
	s10 =	sor.u32 s24, s6  }
0xaa: {  	s28 =	sadd.s32 $0x10, s19;
	v2 =	vsel vm5, $0x3E800000, v0;
	vm5 =	veq.s32 v4, $0x1;
	s0 =	sor.u32 $0x20, s16;
	v1 =	vsel vm3, $0x3F800000, v7;
	s29 =	sor.u32 s26, s6;
	[tilespmem:s25+$0x80] =	vst v5;
	v10 =	vld [tilespmem:s10+$0x0]  }
0xab: {  	s21 =	sor.u32 s21, s22;
	s30 =	sor.u32 $0x100, s28;
	vm0 =	veq.s32 v3, $0x0;
	vm4 =	veq.s32 v3, $0x3;
	v3 =	vsel vm6, $0x3F800000, v7;
	s23 =	sor.u32 s0, s6;
	[tilespmem:s25+$0x0] =	vst v1;
	v11 =	vld [tilespmem:s29+$0x0]  }
0xac: {  	p4 =	por !p4, !p4;
	s1 =	sadd.s32 $0x20, s19;
	v8 =	vsel vm1, $0x3F800000, v9;
	v5 =	vsel vm7, $0x3F800000, v7;
	v7 =	vsel vm2, $0x3F800000, v9;
	v1 =	vld [tilespmem:s23+$0x0];
	s10 =	sor.u32 s18, s22;
	[tilespmem:s30+$0x3200] =	vst v3  }
0xad: {  	vm6 =	veq.s32 v4, $0x2;
	v6 =	vsel vm5, $0x3F800000, v2;
	vm3 =	veq.s32 v4, $0x0;
	s6 =	sor.u32 $0x180, s28;
	s28 =	sor.u32 $0x100, s1;
	s20 =	sor.u32 $0x100, s19;
	[tilespmem:s10+$0x80] =	vst v7  }
0xae: {  	s19 =	sor.u32 $0x180, s19;
	v4 =	vsel vm3, $0x3F800000, v2;
	s18 =	simm.s32 $0x100;
	s25 =	simm.s32 $0x1;
	v3 =	vsel vm0, $0x3F800000, v9;
	v9 =	vsel vm4, $0x3F800000, v9;
	[tilespmem:s6+$0x3200] =	vst v5  }
0xaf: {  	s25 =	simm.s32 @!p4 $0x0;
	s30 =	simm.s32 $0x40;
	s31 =	sand.u32 $0x7E00, s18;
	[tilespmem:s10+$0x0] =	vst v3;
	v5 =	vsel vm6, $0x3F800000, v2;
	v2 =	vsel vm8, $0x3F800000, v2;
	vm0 =	veq.s32 v10, $0x4  }
0xb0: {  	s29 =	sor.u32 $0x180, s1;
	s23 =	sshll.u32 s25, $0x6;
	v3 =	vld [tilespmem:s30+$0x0];
	s25 =	sadd.s32 $0x3200, s31;
	[tilespmem:s28+$0x3200] =	vst v8;
	vm1 =	veq.s32 v11, $0x4;
	v12 =	vsel vm0, $0x3E800000, v0;
	vm0 =	veq.s32 v10, $0x0  }
0xb1: {  	s30 =	sadd.s32 $0x100, s23;
	s23 =	sor.u32 s26, s25;
	s1 =	sor.u32 s24, s25;
	[tilespmem:s29+$0x3200] =	vst v9;
	vm2 =	veq.s32 v1, $0x4;
	v7 =	vsel vm0, $0x3F800000, v12;
	vm0 =	veq.s32 v10, $0x1  }
0xb2: {  	s6 =	sadd.s32 $0x10, s30;
	s29 =	sadd.s32 $0x20, s30;
	s31 =	sadd.s32 $0x30, s30;
	vm4 =	veq.s32 v11, $0x2;
	[tilespmem:s1+$0x0] =	vst v7;
	v9 =	vsel vm0, $0x3F800000, v12;
	vm0 =	veq.s32 v10, $0x2  }
0xb3: {  	s28 =	sor.u32 $0x100, s6;
	s26 =	sor.u32 $0x180, s6;
	v7 =	vsel vm2, $0x3E800000, v0;
	vm2 =	veq.s32 v10, $0x3;
	[tilespmem:s1+$0x80] =	vst v9;
	v9 =	vsel vm0, $0x3F800000, v12;
	s1 =	sor.u32 $0x100, s31  }
0xb4: {  	s24 =	sor.u32 $0x100, s29;
	s22 =	sor.u32 $0x180, s29;
	s10 =	sor.u32 $0x180, s31;
	v8 =	vsel vm1, $0x3E800000, v0;
	vm1 =	veq.s32 v11, $0x0;
	[tilespmem:s1+$0x3200] =	vst v9;
	v9 =	vsel vm2, $0x3F800000, v12  }
0xb5: {  	s29 =	sor.u32 $0x180, s30;
	vm3 =	veq.s32 v3, $0x4;
	vm0 =	veq.s32 v11, $0x1;
	s31 =	sor.u32 $0x100, s30;
	s30 =	sor.u32 s0, s25;
	vm2 =	veq.s32 v11, $0x3;
	[tilespmem:s10+$0x3200] =	vst v9  }
.LBB2_5:
0xb6: {  	s17 =	sadd.s32 $0x40, s17;
	s0 =	sor.u32 s16, s25;
	vm6 =	veq.s32 v1, $0x0;
	vm7 =	veq.s32 v1, $0x1;
	vm5 =	veq.s32 v1, $0x2;
	[tilespmem:s21+$0x0] =	vst v4  }
0xb7: {  	v9 =	vsel vm3, $0x3E800000, v0;
	vm8 =	veq.s32 v3, $0x0;
	vm3 =	veq.s32 v1, $0x3;
	s16 =	sand.u32 $0x40, s17;
	[tilespmem:s21+$0x80] =	vst v6;
	s21 =	smov.u32 s0  }
0xb8: {  	vm9 =	veq.s32 v3, $0x1;
	vm10 =	veq.s32 v3, $0x2;
	vm11 =	veq.s32 v3, $0x3;
	s25 =	sand.u32 $0x1F80, s17;
	s1 =	sor.u32 $0x10, s16;
	s6 =	sor.u32 $0x30, s16;
	[tilespmem:s20+$0x3200] =	vst v5  }
0xb9: {  	v1 =	vsel vm1, $0x3F800000, v8;
	v3 =	vsel vm0, $0x3F800000, v8;
	v10 =	vsel vm4, $0x3F800000, v8;
	s0 =	sor.u32 $0x20, s16;
	s10 =	sor.u32 s1, s25;
	s20 =	sor.u32 s6, s25;
	[tilespmem:s19+$0x3200] =	vst v2  }
0xba: {  	v8 =	vsel vm2, $0x3F800000, v8;
	p5 =	slt.u32 s17, $0x18C0;
	v12 =	vsel vm6, $0x3F800000, v7;
	v13 =	vsel vm7, $0x3F800000, v7;
	s25 =	sor.u32 s0, s25;
	v11 =	vld [tilespmem:s20+$0x0];
	[tilespmem:s23+$0x0] =	vst v1;
	s20 =	smov.u32 s31  }
0xbb: {  	v4 =	vsel vm8, $0x3F800000, v9;
	v15 =	vsel vm5, $0x3F800000, v7;
	v7 =	vsel vm3, $0x3F800000, v7;
	s19 =	smov.u32 s29;
	v14 =	vld [tilespmem:s10+$0x0];
	[tilespmem:s23+$0x80] =	vst v3  }
0xbc: {  	v6 =	vsel vm9, $0x3F800000, v9;
	v5 =	vsel vm10, $0x3F800000, v9;
	v2 =	vsel vm11, $0x3F800000, v9;
	v1 =	vld [tilespmem:s25+$0x0];
	[tilespmem:s28+$0x3200] =	vst v10  }
0xbd: {  	p4 =	por !p4, !p4;
	s10 =	simm.s32 $0x1;
	[tilespmem:s26+$0x3200] =	vst v8  }
0xbe: {  	s18 =	sadd.s32 $0x100, s18;
	s10 =	simm.s32 @!p4 $0x0;
	[tilespmem:s30+$0x0] =	vst v12  }
0xbf: {  	s23 =	sshra.s32 s18, $0x2;
	s25 =	sand.u32 $0x7E00, s18;
	s10 =	sshll.u32 s10, $0x6;
	vm0 =	veq.s32 v11, $0x4;
	[tilespmem:s30+$0x80] =	vst v13  }
0xc0: {  	s25 =	sadd.s32 $0x3200, s25;
	s10 =	sadd.s32 s10, s18;
	v3 =	vld [tilespmem:s23+$0x0];
	vm1 =	veq.s32 v14, $0x4;
	v9 =	vsel vm0, $0x3E800000, v0;
	vm0 =	veq.s32 v11, $0x0;
	[tilespmem:s24+$0x3200] =	vst v15  }
.Ltmp9:
0xc1: {  	s23 =	sor.u32 s1, s25;
	s1 =	sor.u32 s6, s25;
	vm2 =	veq.s32 v1, $0x4;
	v10 =	vsel vm0, $0x3F800000, v9;
	vm0 =	veq.s32 v11, $0x1;
	[tilespmem:s22+$0x3200] =	vst v7;
	(pc) =	sbr.rel @p5 .LBB2_5-.Ltmp9, $4  }
0xc2: {  	s29 =	sadd.s32 $0x30, s10;
	s6 =	sadd.s32 $0x10, s10;
	v8 =	vsel vm1, $0x3E800000, v0;
	s22 =	sadd.s32 $0x20, s10;
	[tilespmem:s1+$0x0] =	vst v10;
	v10 =	vsel vm0, $0x3F800000, v9;
	vm0 =	veq.s32 v11, $0x2  }
0xc3: {  	s28 =	sor.u32 $0x100, s6;
	s26 =	sor.u32 $0x180, s6;
	v7 =	vsel vm2, $0x3E800000, v0;
	vm2 =	veq.s32 v11, $0x3;
	[tilespmem:s1+$0x80] =	vst v10;
	v10 =	vsel vm0, $0x3F800000, v9;
	s1 =	sor.u32 $0x100, s29  }
0xc4: {  	vm1 =	veq.s32 v14, $0x0;
	s24 =	sor.u32 $0x100, s22;
	s22 =	sor.u32 $0x180, s22;
	vm0 =	veq.s32 v14, $0x1;
	v9 =	vsel vm2, $0x3F800000, v9;
	[tilespmem:s1+$0x3200] =	vst v10;
	s1 =	sor.u32 $0x180, s29  }
0xc5: {  	s31 =	sor.u32 $0x100, s10;
	s30 =	sor.u32 s0, s25;
	vm4 =	veq.s32 v14, $0x2;
	vm2 =	veq.s32 v14, $0x3;
	s29 =	sor.u32 $0x180, s10;
	vm3 =	veq.s32 v3, $0x4;
	[tilespmem:s1+$0x3200] =	vst v9  }
.Ltmp10:
0xc6: {  	_ = 	snop;
	(pc) =	sbr.rel .LBB2_6-.Ltmp10, $1  }
0xc7: {  	_ =	sdelay $0x3  }
.LBB2_13:
0xc8: {  	_ =	sfence.sel $0x180000  }
0xc9: {  	[bflag:$0x0] =	sbarrier.arrive $0xFFFF  }
0xca: {  	_ =	strace $0x90000047  }
0xcb: {  	s0 =	stileid.u32;
	[bflag:$0x2] =	sbarrier.arrive $0xFFFF  }
0xcc: {  	p0 =	sne.s32 s0, $0x0;
	s0 =	rddreg [dreg:$0x2]  }
0xcd: {  	s0 =	sadd.s32 @!p0 $0x100000, s0  }
0xce: {  	[sflag:s0] =	ssyncadd.tile.s32 @!p0 $0x1;
	_ =	shalt  }
.Lfunc_end2:
_tile_overlayer_lowered:
.L_overlay_start_2:
0xcf: {  	(tag) =	ssettag $0x2  }
0xd0: {  	s0 =	rddreg [dreg:$0x0];
	s2 =	stileid.u32  }
0xd1: {  	s1 =	rddreg [dreg:$0x1];
	p0 =	sne.s32 s2, $0x0  }
0xd2: {  	s3 =	rddreg [dreg:$0x2];
	[bflag:$0x3] =	sbarrier.arrive $0xFFFF;
	s2 =	simm.s32 @!p0 $0x1C05  }
0xd3: {  	[timem:s3], [sflag:s2] =	dma.local @!p0 [hbm:s0], s1  }
0xd4: {  	s0 =	simm.s32 @!p0 $0x5  }
0xd5: {  	_ =	swait.ge @!p0 [sflag:s0], s1  }
0xd6: {  	s1 =	ssub.s32 @!p0 $0x0, s1;
	[sflag:s0] =	ssyncset.done @!p0 $0x0  }
0xd7: {  	[sflag:s0] =	ssyncadd.s32 @!p0 s1  }
0xd8: {  	[bflag:$0x3] =	sbarrier.arrive $0xFFFF  }
0xd9: {  	_ =	shalt  }

</sc_bundles>
